<compile_context>
chip_gen: v7x
topology: tpu7x:2x2x1
jax: 0.10.2.dev20260603
libtpu: 0.0.44.dev20260713+nightly
codegen_flags: <defaults>
</compile_context>

<pallas_src>
import functools

import jax
import jax.numpy as jnp
from jax import lax
from jax.experimental import pallas as pl
from jax.experimental.pallas import tpu as pltpu
from jax.experimental.pallas import tpu_sc as plsc

_BATCH = 1600000
_N_GROUPS = 64
_NUM_CORES = 2
_NUM_WORKERS = 16 * _NUM_CORES
_PER_TILE = _BATCH // _NUM_WORKERS
_CHUNK = 10000
_NCHUNK = _PER_TILE // _CHUNK
_VECS = _CHUNK // 16
_UNROLL = 8


def _sc_partials(losses, g):
    mesh = plsc.VectorSubcoreMesh(
        core_axis_name="c", subcore_axis_name="s", num_cores=_NUM_CORES)

    @functools.partial(
        pl.kernel,
        mesh=mesh,
        compiler_params=pltpu.CompilerParams(needs_layout_passes=False),
        out_type=[
            jax.ShapeDtypeStruct((_NUM_WORKERS, _N_GROUPS), jnp.float32),
            jax.ShapeDtypeStruct((_NUM_WORKERS, _N_GROUPS), jnp.float32),
        ],
        scratch_types=[
            pltpu.VMEM((_CHUNK,), jnp.float32),
            pltpu.VMEM((_CHUNK,), jnp.float32),
            pltpu.VMEM((_CHUNK,), jnp.int32),
            pltpu.VMEM((_CHUNK,), jnp.int32),
            pltpu.VMEM((_N_GROUPS * 16,), jnp.float32),
            pltpu.VMEM((_N_GROUPS * 16,), jnp.float32),
            pltpu.VMEM((_N_GROUPS,), jnp.float32),
            pltpu.VMEM((_N_GROUPS,), jnp.float32),
            pltpu.SemaphoreType.DMA,
            pltpu.SemaphoreType.DMA,
        ],
    )
    def k(loss_hbm, g_hbm, psum_hbm, pcnt_hbm,
          lbuf0, lbuf1, gbuf0, gbuf1, acc, cnt, osum, ocnt, sem0, sem1):
        wid = lax.axis_index("s") * _NUM_CORES + lax.axis_index("c")
        base = wid * _PER_TILE

        zero16 = jnp.zeros((16,), jnp.float32)
        for r in range(_N_GROUPS):
            acc[pl.ds(r * 16, 16)] = zero16
            cnt[pl.ds(r * 16, 16)] = zero16

        lane = lax.iota(jnp.int32, 16)
        ones16 = jnp.ones((16,), jnp.float32)
        lbufs = (lbuf0, lbuf1)
        gbufs = (gbuf0, gbuf1)
        sems = (sem0, sem1)

        def start(c):
            b = c % 2
            off = base + c * _CHUNK
            cl = pltpu.make_async_copy(
                loss_hbm.at[pl.ds(off, _CHUNK)], lbufs[b], sems[b])
            cg = pltpu.make_async_copy(
                g_hbm.at[pl.ds(off, _CHUNK)], gbufs[b], sems[b])
            cl.start()
            cg.start()
            return cl, cg

        pending = start(0)
        for c in range(_NCHUNK):
            nxt = start(c + 1) if c + 1 < _NCHUNK else None
            pending[0].wait()
            pending[1].wait()
            lb, gb = lbufs[c % 2], gbufs[c % 2]

            @plsc.parallel_loop(0, _VECS, unroll=_UNROLL)
            def _(i, lb=lb, gb=gb):
                off = i * 16
                gv = gb[pl.ds(off, 16)]
                lv = lb[pl.ds(off, 16)]
                idx = gv * 16 + lane
                plsc.addupdate_scatter(acc, [idx], lv)
                plsc.addupdate_scatter(cnt, [idx], ones16)
            pending = nxt

        lane16 = lane * jnp.int32(16)
        for j in range(_N_GROUPS // 16):
            ts = jnp.zeros((16,), jnp.float32)
            tc = jnp.zeros((16,), jnp.float32)
            for l in range(16):
                idxv = lane16 + jnp.int32(j * 256 + l)
                ts = ts + plsc.load_gather(acc, [idxv])
                tc = tc + plsc.load_gather(cnt, [idxv])
            osum[pl.ds(j * 16, 16)] = ts
            ocnt[pl.ds(j * 16, 16)] = tc

        pltpu.sync_copy(osum, psum_hbm.at[wid])
        pltpu.sync_copy(ocnt, pcnt_hbm.at[wid])

    return k(losses, g)


def _tc_finish(psum, pcnt, h_fun):
    def fin(ps_ref, pc_ref, h_ref, rl_ref, gl_ref, gc_ref):
        s = jnp.sum(ps_ref[...], axis=0, keepdims=True)
        c = jnp.sum(pc_ref[...], axis=0, keepdims=True)
        rl = jnp.sum(s * h_ref[...]) / jnp.float32(_BATCH)
        rl_ref[...] = jnp.reshape(rl, (1, 1))
        gc_ref[...] = c
        gl_ref[...] = s / (c + (c == 0).astype(jnp.float32))

    return pl.pallas_call(
        fin,
        out_shape=[
            jax.ShapeDtypeStruct((1, 1), jnp.float32),
            jax.ShapeDtypeStruct((1, _N_GROUPS), jnp.float32),
            jax.ShapeDtypeStruct((1, _N_GROUPS), jnp.float32),
        ],
    )(psum, pcnt, h_fun)


def kernel(losses, g, h_fun, sum_losses, count_cat):
    psum, pcnt = _sc_partials(losses, g)
    rl, gl, gc = _tc_finish(psum, pcnt, h_fun.reshape(1, _N_GROUPS))
    return (rl.reshape(()), gl.reshape(_N_GROUPS), gc.reshape(_N_GROUPS))

# --- scband reference (transcript-rebuilt; emitter-appended) ---
"""Pipeline reference for scband-drogreedy-loss-83313775608354 (READ-ONLY COPY).

The authoritative reference and input builder live on the scoring server;
editing this copy changes nothing except your own understanding.
"""

import jax, jax.numpy as jnp
import numpy as np

BATCH = 1600000
N_GROUPS = 64
ALPHA = 0.2
EPS = 0.001
EMA = 0.1


def setup_inputs(seed: int = 0) -> dict:
    key = jax.random.key(seed)
    k1, k2 = jax.random.split(key)
    losses = jax.random.uniform(k1, (BATCH,), dtype=jnp.float32)
    g = jax.random.randint(k2, (BATCH,), 0, N_GROUPS, dtype=jnp.int32)
    h_fun = jnp.ones((N_GROUPS,), dtype=jnp.float32)
    sum_losses = jnp.zeros((N_GROUPS,), dtype=jnp.float32)
    count_cat = jnp.ones((N_GROUPS,), dtype=jnp.float32)
    return {"losses": losses, "g": g, "h_fun": h_fun, "sum_losses": sum_losses, "count_cat": count_cat}


def reference(losses, g, h_fun, sum_losses, count_cat):
    batch_size = losses.shape[0]
    # robust loss: scatter-add losses into group bins, weight by h_fun
    gdro_losses = jnp.zeros((N_GROUPS,), dtype=losses.dtype).at[g].add(losses)
    robust_loss = (gdro_losses * h_fun).sum() / batch_size

    # training-time buffer updates (torch.no_grad block, world_size==1 so gather==identity)
    losses_ng = jax.lax.stop_gradient(losses)
    counts_agg = jnp.zeros((N_GROUPS,), dtype=jnp.float32).at[g].add(jnp.ones_like(losses_ng))
    losses_agg = jnp.zeros((N_GROUPS,), dtype=jnp.float32).at[g].add(losses_ng)
    gdro_mean = losses_agg / (counts_agg + (counts_agg == 0).astype(jnp.float32))
    valid = counts_agg > 0
    sum_losses_new = jnp.where(valid, sum_losses * (1.0 - EMA) + EMA * gdro_mean, sum_losses)
    count_cat_new = count_cat * (1.0 - EMA) + EMA * counts_agg

    # update_mw (weight_ema=False branch)
    past_frac = count_cat_new / count_cat_new.sum()
    sort_id = jnp.argsort(-sum_losses_new)
    sorted_frac = past_frac[sort_id]
    cutoff_count = jnp.sum((jnp.cumsum(sorted_frac) < ALPHA).astype(jnp.int32))
    cutoff_count = jnp.minimum(cutoff_count, N_GROUPS - 1)
    ranks = jnp.arange(N_GROUPS, dtype=jnp.int32)
    below = ranks < cutoff_count
    h_fun_new = jnp.full((N_GROUPS,), EPS, dtype=jnp.float32)
    h_fun_new = h_fun_new.at[sort_id].set(
        jnp.where(below, jnp.float32(1.0 / ALPHA), jnp.float32(EPS))
    )
    leftover_mass = 1.0 - jnp.sum(jnp.where(below, sorted_frac, 0.0)) / ALPHA
    tiebreak = leftover_mass / sorted_frac[cutoff_count]
    h_fun_new = h_fun_new.at[sort_id[cutoff_count]].set(jnp.maximum(tiebreak, jnp.float32(EPS)))
    _ = h_fun_new  # buffer update (side effect in the torch module)

    # group stats returned by forward
    group_counts = counts_agg
    group_losses = losses_agg / (counts_agg + (counts_agg == 0).astype(jnp.float32))
    return (robust_loss, group_losses, group_counts)

if __name__ == "__main__":
    import jax
    _d = setup_inputs()
    print(jax.jit(kernel)(*tuple(_d.values())))

</pallas_src>

<mosaic_0001>
#map = affine_map<(d0, d1) -> (0)>
#map1 = affine_map<(d0, d1) -> (0, 0)>
module attributes {stable_mosaic.version = 14 : i64} {
  func.func @k(%arg0: i32, %arg1: i32, %arg2: memref<1600000xf32, #tpu.memory_space<hbm>>, %arg3: memref<1600000xi32, #tpu.memory_space<hbm>>, %arg4: memref<32x64xf32, #tpu.memory_space<hbm>>, %arg5: memref<32x64xf32, #tpu.memory_space<hbm>>, %arg6: memref<10000xf32, #tpu.memory_space<vmem>>, %arg7: memref<10000xf32, #tpu.memory_space<vmem>>, %arg8: memref<10000xi32, #tpu.memory_space<vmem>>, %arg9: memref<10000xi32, #tpu.memory_space<vmem>>, %arg10: memref<1024xf32, #tpu.memory_space<vmem>>, %arg11: memref<1024xf32, #tpu.memory_space<vmem>>, %arg12: memref<64xf32, #tpu.memory_space<vmem>>, %arg13: memref<64xf32, #tpu.memory_space<vmem>>, %arg14: memref<!tpu.dma_semaphore, #tpu.memory_space<semaphore_mem>>, %arg15: memref<!tpu.dma_semaphore, #tpu.memory_space<semaphore_mem>>) attributes {dimension_semantics = [#tpu.dimension_semantics<core_parallel>, #tpu.dimension_semantics<subcore_parallel>], iteration_bounds = array<i64: 2, 16>, scalar_prefetch = 0 : i64, scratch_operands = 10 : i64, tpu.core_type = #tpu.core_type<sc_vector_subcore>, window_params = [{transform_indices = #map}, {transform_indices = #map}, {transform_indices = #map1}, {transform_indices = #map1}]} {
    %mul3A = arith.constant 2 : i32
    %mul3A_0 = arith.muli %arg1, %mul3A : i32
    %add3A = arith.addi %mul3A_0, %arg0 : i32
    %mul3A_1 = arith.constant 50000 : i32
    %mul3A_2 = arith.muli %add3A, %mul3A_1 : i32
    %broadcast_in_dim3A = arith.constant 0.000000e+00 : f32
    %broadcast_in_dim3A_3 = vector.broadcast %broadcast_in_dim3A : f32 to vector<16xf32>
    %swap3A = arith.constant 0 : index
    %swap3A_4 = tpu.vector_load %arg10[%swap3A] {strides = array<i32>} : memref<1024xf32, #tpu.memory_space<vmem>>, vector<16xf32>,
    tpu.vector_store %arg10[%swap3A], %broadcast_in_dim3A_3 {strides = array<i32>} : memref<1024xf32, #tpu.memory_space<vmem>>, vector<16xf32>,
    %swap3A_5 = arith.constant 0 : index
    %swap3A_6 = tpu.vector_load %arg11[%swap3A_5] {strides = array<i32>} : memref<1024xf32, #tpu.memory_space<vmem>>, vector<16xf32>,
    tpu.vector_store %arg11[%swap3A_5], %broadcast_in_dim3A_3 {strides = array<i32>} : memref<1024xf32, #tpu.memory_space<vmem>>, vector<16xf32>,
    %swap3A_7 = arith.constant 16 : index
    %swap3A_8 = tpu.vector_load %arg10[%swap3A_7] {strides = array<i32>} : memref<1024xf32, #tpu.memory_space<vmem>>, vector<16xf32>,
    tpu.vector_store %arg10[%swap3A_7], %broadcast_in_dim3A_3 {strides = array<i32>} : memref<1024xf32, #tpu.memory_space<vmem>>, vector<16xf32>,
    %swap3A_9 = arith.constant 16 : index
    %swap3A_10 = tpu.vector_load %arg11[%swap3A_9] {strides = array<i32>} : memref<1024xf32, #tpu.memory_space<vmem>>, vector<16xf32>,
    tpu.vector_store %arg11[%swap3A_9], %broadcast_in_dim3A_3 {strides = array<i32>} : memref<1024xf32, #tpu.memory_space<vmem>>, vector<16xf32>,
    %swap3A_11 = arith.constant 32 : index
    %swap3A_12 = tpu.vector_load %arg10[%swap3A_11] {strides = array<i32>} : memref<1024xf32, #tpu.memory_space<vmem>>, vector<16xf32>,
    tpu.vector_store %arg10[%swap3A_11], %broadcast_in_dim3A_3 {strides = array<i32>} : memref<1024xf32, #tpu.memory_space<vmem>>, vector<16xf32>,
    %swap3A_13 = arith.constant 32 : index
    %swap3A_14 = tpu.vector_load %arg11[%swap3A_13] {strides = array<i32>} : memref<1024xf32, #tpu.memory_space<vmem>>, vector<16xf32>,
    tpu.vector_store %arg11[%swap3A_13], %broadcast_in_dim3A_3 {strides = array<i32>} : memref<1024xf32, #tpu.memory_space<vmem>>, vector<16xf32>,
    %swap3A_15 = arith.constant 48 : index
    %swap3A_16 = tpu.vector_load %arg10[%swap3A_15] {strides = array<i32>} : memref<1024xf32, #tpu.memory_space<vmem>>, vector<16xf32>,
    tpu.vector_store %arg10[%swap3A_15], %broadcast_in_dim3A_3 {strides = array<i32>} : memref<1024xf32, #tpu.memory_space<vmem>>, vector<16xf32>,
    %swap3A_17 = arith.constant 48 : index
    %swap3A_18 = tpu.vector_load %arg11[%swap3A_17] {strides = array<i32>} : memref<1024xf32, #tpu.memory_space<vmem>>, vector<16xf32>,
    tpu.vector_store %arg11[%swap3A_17], %broadcast_in_dim3A_3 {strides = array<i32>} : memref<1024xf32, #tpu.memory_space<vmem>>, vector<16xf32>,
    %swap3A_19 = arith.constant 64 : index
    %swap3A_20 = tpu.vector_load %arg10[%swap3A_19] {strides = array<i32>} : memref<1024xf32, #tpu.memory_space<vmem>>, vector<16xf32>,
    tpu.vector_store %arg10[%swap3A_19], %broadcast_in_dim3A_3 {strides = array<i32>} : memref<1024xf32, #tpu.memory_space<vmem>>, vector<16xf32>,
    %swap3A_21 = arith.constant 64 : index
    %swap3A_22 = tpu.vector_load %arg11[%swap3A_21] {strides = array<i32>} : memref<1024xf32, #tpu.memory_space<vmem>>, vector<16xf32>,
    tpu.vector_store %arg11[%swap3A_21], %broadcast_in_dim3A_3 {strides = array<i32>} : memref<1024xf32, #tpu.memory_space<vmem>>, vector<16xf32>,
    %swap3A_23 = arith.constant 80 : index
    %swap3A_24 = tpu.vector_load %arg10[%swap3A_23] {strides = array<i32>} : memref<1024xf32, #tpu.memory_space<vmem>>, vector<16xf32>,
    tpu.vector_store %arg10[%swap3A_23], %broadcast_in_dim3A_3 {strides = array<i32>} : memref<1024xf32, #tpu.memory_space<vmem>>, vector<16xf32>,
    %swap3A_25 = arith.constant 80 : index
    %swap3A_26 = tpu.vector_load %arg11[%swap3A_25] {strides = array<i32>} : memref<1024xf32, #tpu.memory_space<vmem>>, vector<16xf32>,
    tpu.vector_store %arg11[%swap3A_25], %broadcast_in_dim3A_3 {strides = array<i32>} : memref<1024xf32, #tpu.memory_space<vmem>>, vector<16xf32>,
    %swap3A_27 = arith.constant 96 : index
    %swap3A_28 = tpu.vector_load %arg10[%swap3A_27] {strides = array<i32>} : memref<1024xf32, #tpu.memory_space<vmem>>, vector<16xf32>,
    tpu.vector_store %arg10[%swap3A_27], %broadcast_in_dim3A_3 {strides = array<i32>} : memref<1024xf32, #tpu.memory_space<vmem>>, vector<16xf32>,
    %swap3A_29 = arith.constant 96 : index
    %swap3A_30 = tpu.vector_load %arg11[%swap3A_29] {strides = array<i32>} : memref<1024xf32, #tpu.memory_space<vmem>>, vector<16xf32>,
    tpu.vector_store %arg11[%swap3A_29], %broadcast_in_dim3A_3 {strides = array<i32>} : memref<1024xf32, #tpu.memory_space<vmem>>, vector<16xf32>,
    %swap3A_31 = arith.constant 112 : index
    %swap3A_32 = tpu.vector_load %arg10[%swap3A_31] {strides = array<i32>} : memref<1024xf32, #tpu.memory_space<vmem>>, vector<16xf32>,
    tpu.vector_store %arg10[%swap3A_31], %broadcast_in_dim3A_3 {strides = array<i32>} : memref<1024xf32, #tpu.memory_space<vmem>>, vector<16xf32>,
    %swap3A_33 = arith.constant 112 : index
    %swap3A_34 = tpu.vector_load %arg11[%swap3A_33] {strides = array<i32>} : memref<1024xf32, #tpu.memory_space<vmem>>, vector<16xf32>,
    tpu.vector_store %arg11[%swap3A_33], %broadcast_in_dim3A_3 {strides = array<i32>} : memref<1024xf32, #tpu.memory_space<vmem>>, vector<16xf32>,
    %swap3A_35 = arith.constant 128 : index
    %swap3A_36 = tpu.vector_load %arg10[%swap3A_35] {strides = array<i32>} : memref<1024xf32, #tpu.memory_space<vmem>>, vector<16xf32>,
    tpu.vector_store %arg10[%swap3A_35], %broadcast_in_dim3A_3 {strides = array<i32>} : memref<1024xf32, #tpu.memory_space<vmem>>, vector<16xf32>,
    %swap3A_37 = arith.constant 128 : index
    %swap3A_38 = tpu.vector_load %arg11[%swap3A_37] {strides = array<i32>} : memref<1024xf32, #tpu.memory_space<vmem>>, vector<16xf32>,
    tpu.vector_store %arg11[%swap3A_37], %broadcast_in_dim3A_3 {strides = array<i32>} : memref<1024xf32, #tpu.memory_space<vmem>>, vector<16xf32>,
    %swap3A_39 = arith.constant 144 : index
    %swap3A_40 = tpu.vector_load %arg10[%swap3A_39] {strides = array<i32>} : memref<1024xf32, #tpu.memory_space<vmem>>, vector<16xf32>,
    tpu.vector_store %arg10[%swap3A_39], %broadcast_in_dim3A_3 {strides = array<i32>} : memref<1024xf32, #tpu.memory_space<vmem>>, vector<16xf32>,
    %swap3A_41 = arith.constant 144 : index
    %swap3A_42 = tpu.vector_load %arg11[%swap3A_41] {strides = array<i32>} : memref<1024xf32, #tpu.memory_space<vmem>>, vector<16xf32>,
    tpu.vector_store %arg11[%swap3A_41], %broadcast_in_dim3A_3 {strides = array<i32>} : memref<1024xf32, #tpu.memory_space<vmem>>, vector<16xf32>,
    %swap3A_43 = arith.constant 160 : index
    %swap3A_44 = tpu.vector_load %arg10[%swap3A_43] {strides = array<i32>} : memref<1024xf32, #tpu.memory_space<vmem>>, vector<16xf32>,
    tpu.vector_store %arg10[%swap3A_43], %broadcast_in_dim3A_3 {strides = array<i32>} : memref<1024xf32, #tpu.memory_space<vmem>>, vector<16xf32>,
    %swap3A_45 = arith.constant 160 : index
    %swap3A_46 = tpu.vector_load %arg11[%swap3A_45] {strides = array<i32>} : memref<1024xf32, #tpu.memory_space<vmem>>, vector<16xf32>,
    tpu.vector_store %arg11[%swap3A_45], %broadcast_in_dim3A_3 {strides = array<i32>} : memref<1024xf32, #tpu.memory_space<vmem>>, vector<16xf32>,
    %swap3A_47 = arith.constant 176 : index
    %swap3A_48 = tpu.vector_load %arg10[%swap3A_47] {strides = array<i32>} : memref<1024xf32, #tpu.memory_space<vmem>>, vector<16xf32>,
    tpu.vector_store %arg10[%swap3A_47], %broadcast_in_dim3A_3 {strides = array<i32>} : memref<1024xf32, #tpu.memory_space<vmem>>, vector<16xf32>,
    %swap3A_49 = arith.constant 176 : index
    %swap3A_50 = tpu.vector_load %arg11[%swap3A_49] {strides = array<i32>} : memref<1024xf32, #tpu.memory_space<vmem>>, vector<16xf32>,
    tpu.vector_store %arg11[%swap3A_49], %broadcast_in_dim3A_3 {strides = array<i32>} : memref<1024xf32, #tpu.memory_space<vmem>>, vector<16xf32>,
    %swap3A_51 = arith.constant 192 : index
    %swap3A_52 = tpu.vector_load %arg10[%swap3A_51] {strides = array<i32>} : memref<1024xf32, #tpu.memory_space<vmem>>, vector<16xf32>,
    tpu.vector_store %arg10[%swap3A_51], %broadcast_in_dim3A_3 {strides = array<i32>} : memref<1024xf32, #tpu.memory_space<vmem>>, vector<16xf32>,
    %swap3A_53 = arith.constant 192 : index
    %swap3A_54 = tpu.vector_load %arg11[%swap3A_53] {strides = array<i32>} : memref<1024xf32, #tpu.memory_space<vmem>>, vector<16xf32>,
    tpu.vector_store %arg11[%swap3A_53], %broadcast_in_dim3A_3 {strides = array<i32>} : memref<1024xf32, #tpu.memory_space<vmem>>, vector<16xf32>,
    %swap3A_55 = arith.constant 208 : index
    %swap3A_56 = tpu.vector_load %arg10[%swap3A_55] {strides = array<i32>} : memref<1024xf32, #tpu.memory_space<vmem>>, vector<16xf32>,
    tpu.vector_store %arg10[%swap3A_55], %broadcast_in_dim3A_3 {strides = array<i32>} : memref<1024xf32, #tpu.memory_space<vmem>>, vector<16xf32>,
    %swap3A_57 = arith.constant 208 : index
    %swap3A_58 = tpu.vector_load %arg11[%swap3A_57] {strides = array<i32>} : memref<1024xf32, #tpu.memory_space<vmem>>, vector<16xf32>,
    tpu.vector_store %arg11[%swap3A_57], %broadcast_in_dim3A_3 {strides = array<i32>} : memref<1024xf32, #tpu.memory_space<vmem>>, vector<16xf32>,
    %swap3A_59 = arith.constant 224 : index
    %swap3A_60 = tpu.vector_load %arg10[%swap3A_59] {strides = array<i32>} : memref<1024xf32, #tpu.memory_space<vmem>>, vector<16xf32>,
    tpu.vector_store %arg10[%swap3A_59], %broadcast_in_dim3A_3 {strides = array<i32>} : memref<1024xf32, #tpu.memory_space<vmem>>, vector<16xf32>,
    %swap3A_61 = arith.constant 224 : index
    %swap3A_62 = tpu.vector_load %arg11[%swap3A_61] {strides = array<i32>} : memref<1024xf32, #tpu.memory_space<vmem>>, vector<16xf32>,
    tpu.vector_store %arg11[%swap3A_61], %broadcast_in_dim3A_3 {strides = array<i32>} : memref<1024xf32, #tpu.memory_space<vmem>>, vector<16xf32>,
    %swap3A_63 = arith.constant 240 : index
    %swap3A_64 = tpu.vector_load %arg10[%swap3A_63] {strides = array<i32>} : memref<1024xf32, #tpu.memory_space<vmem>>, vector<16xf32>,
    tpu.vector_store %arg10[%swap3A_63], %broadcast_in_dim3A_3 {strides = array<i32>} : memref<1024xf32, #tpu.memory_space<vmem>>, vector<16xf32>,
    %swap3A_65 = arith.constant 240 : index
    %swap3A_66 = tpu.vector_load %arg11[%swap3A_65] {strides = array<i32>} : memref<1024xf32, #tpu.memory_space<vmem>>, vector<16xf32>,
    tpu.vector_store %arg11[%swap3A_65], %broadcast_in_dim3A_3 {strides = array<i32>} : memref<1024xf32, #tpu.memory_space<vmem>>, vector<16xf32>,
    %swap3A_67 = arith.constant 256 : index
    %swap3A_68 = tpu.vector_load %arg10[%swap3A_67] {strides = array<i32>} : memref<1024xf32, #tpu.memory_space<vmem>>, vector<16xf32>,
    tpu.vector_store %arg10[%swap3A_67], %broadcast_in_dim3A_3 {strides = array<i32>} : memref<1024xf32, #tpu.memory_space<vmem>>, vector<16xf32>,
    %swap3A_69 = arith.constant 256 : index
    %swap3A_70 = tpu.vector_load %arg11[%swap3A_69] {strides = array<i32>} : memref<1024xf32, #tpu.memory_space<vmem>>, vector<16xf32>,
    tpu.vector_store %arg11[%swap3A_69], %broadcast_in_dim3A_3 {strides = array<i32>} : memref<1024xf32, #tpu.memory_space<vmem>>, vector<16xf32>,
    %swap3A_71 = arith.constant 272 : index
    %swap3A_72 = tpu.vector_load %arg10[%swap3A_71] {strides = array<i32>} : memref<1024xf32, #tpu.memory_space<vmem>>, vector<16xf32>,
    tpu.vector_store %arg10[%swap3A_71], %broadcast_in_dim3A_3 {strides = array<i32>} : memref<1024xf32, #tpu.memory_space<vmem>>, vector<16xf32>,
    %swap3A_73 = arith.constant 272 : index
    %swap3A_74 = tpu.vector_load %arg11[%swap3A_73] {strides = array<i32>} : memref<1024xf32, #tpu.memory_space<vmem>>, vector<16xf32>,
    tpu.vector_store %arg11[%swap3A_73], %broadcast_in_dim3A_3 {strides = array<i32>} : memref<1024xf32, #tpu.memory_space<vmem>>, vector<16xf32>,
    %swap3A_75 = arith.constant 288 : index
    %swap3A_76 = tpu.vector_load %arg10[%swap3A_75] {strides = array<i32>} : memref<1024xf32, #tpu.memory_space<vmem>>, vector<16xf32>,
    tpu.vector_store %arg10[%swap3A_75], %broadcast_in_dim3A_3 {strides = array<i32>} : memref<1024xf32, #tpu.memory_space<vmem>>, vector<16xf32>,
    %swap3A_77 = arith.constant 288 : index
    %swap3A_78 = tpu.vector_load %arg11[%swap3A_77] {strides = array<i32>} : memref<1024xf32, #tpu.memory_space<vmem>>, vector<16xf32>,
    tpu.vector_store %arg11[%swap3A_77], %broadcast_in_dim3A_3 {strides = array<i32>} : memref<1024xf32, #tpu.memory_space<vmem>>, vector<16xf32>,
    %swap3A_79 = arith.constant 304 : index
    %swap3A_80 = tpu.vector_load %arg10[%swap3A_79] {strides = array<i32>} : memref<1024xf32, #tpu.memory_space<vmem>>, vector<16xf32>,
    tpu.vector_store %arg10[%swap3A_79], %broadcast_in_dim3A_3 {strides = array<i32>} : memref<1024xf32, #tpu.memory_space<vmem>>, vector<16xf32>,
    %swap3A_81 = arith.constant 304 : index
    %swap3A_82 = tpu.vector_load %arg11[%swap3A_81] {strides = array<i32>} : memref<1024xf32, #tpu.memory_space<vmem>>, vector<16xf32>,
    tpu.vector_store %arg11[%swap3A_81], %broadcast_in_dim3A_3 {strides = array<i32>} : memref<1024xf32, #tpu.memory_space<vmem>>, vector<16xf32>,
    %swap3A_83 = arith.constant 320 : index
    %swap3A_84 = tpu.vector_load %arg10[%swap3A_83] {strides = array<i32>} : memref<1024xf32, #tpu.memory_space<vmem>>, vector<16xf32>,
    tpu.vector_store %arg10[%swap3A_83], %broadcast_in_dim3A_3 {strides = array<i32>} : memref<1024xf32, #tpu.memory_space<vmem>>, vector<16xf32>,
    %swap3A_85 = arith.constant 320 : index
    %swap3A_86 = tpu.vector_load %arg11[%swap3A_85] {strides = array<i32>} : memref<1024xf32, #tpu.memory_space<vmem>>, vector<16xf32>,
    tpu.vector_store %arg11[%swap3A_85], %broadcast_in_dim3A_3 {strides = array<i32>} : memref<1024xf32, #tpu.memory_space<vmem>>, vector<16xf32>,
    %swap3A_87 = arith.constant 336 : index
    %swap3A_88 = tpu.vector_load %arg10[%swap3A_87] {strides = array<i32>} : memref<1024xf32, #tpu.memory_space<vmem>>, vector<16xf32>,
    tpu.vector_store %arg10[%swap3A_87], %broadcast_in_dim3A_3 {strides = array<i32>} : memref<1024xf32, #tpu.memory_space<vmem>>, vector<16xf32>,
    %swap3A_89 = arith.constant 336 : index
    %swap3A_90 = tpu.vector_load %arg11[%swap3A_89] {strides = array<i32>} : memref<1024xf32, #tpu.memory_space<vmem>>, vector<16xf32>,
    tpu.vector_store %arg11[%swap3A_89], %broadcast_in_dim3A_3 {strides = array<i32>} : memref<1024xf32, #tpu.memory_space<vmem>>, vector<16xf32>,
    %swap3A_91 = arith.constant 352 : index
    %swap3A_92 = tpu.vector_load %arg10[%swap3A_91] {strides = array<i32>} : memref<1024xf32, #tpu.memory_space<vmem>>, vector<16xf32>,
    tpu.vector_store %arg10[%swap3A_91], %broadcast_in_dim3A_3 {strides = array<i32>} : memref<1024xf32, #tpu.memory_space<vmem>>, vector<16xf32>,
    %swap3A_93 = arith.constant 352 : index
    %swap3A_94 = tpu.vector_load %arg11[%swap3A_93] {strides = array<i32>} : memref<1024xf32, #tpu.memory_space<vmem>>, vector<16xf32>,
    tpu.vector_store %arg11[%swap3A_93], %broadcast_in_dim3A_3 {strides = array<i32>} : memref<1024xf32, #tpu.memory_space<vmem>>, vector<16xf32>,
    %swap3A_95 = arith.constant 368 : index
    %swap3A_96 = tpu.vector_load %arg10[%swap3A_95] {strides = array<i32>} : memref<1024xf32, #tpu.memory_space<vmem>>, vector<16xf32>,
    tpu.vector_store %arg10[%swap3A_95], %broadcast_in_dim3A_3 {strides = array<i32>} : memref<1024xf32, #tpu.memory_space<vmem>>, vector<16xf32>,
    %swap3A_97 = arith.constant 368 : index
    %swap3A_98 = tpu.vector_load %arg11[%swap3A_97] {strides = array<i32>} : memref<1024xf32, #tpu.memory_space<vmem>>, vector<16xf32>,
    tpu.vector_store %arg11[%swap3A_97], %broadcast_in_dim3A_3 {strides = array<i32>} : memref<1024xf32, #tpu.memory_space<vmem>>, vector<16xf32>,
    %swap3A_99 = arith.constant 384 : index
    %swap3A_100 = tpu.vector_load %arg10[%swap3A_99] {strides = array<i32>} : memref<1024xf32, #tpu.memory_space<vmem>>, vector<16xf32>,
    tpu.vector_store %arg10[%swap3A_99], %broadcast_in_dim3A_3 {strides = array<i32>} : memref<1024xf32, #tpu.memory_space<vmem>>, vector<16xf32>,
    %swap3A_101 = arith.constant 384 : index
    %swap3A_102 = tpu.vector_load %arg11[%swap3A_101] {strides = array<i32>} : memref<1024xf32, #tpu.memory_space<vmem>>, vector<16xf32>,
    tpu.vector_store %arg11[%swap3A_101], %broadcast_in_dim3A_3 {strides = array<i32>} : memref<1024xf32, #tpu.memory_space<vmem>>, vector<16xf32>,
    %swap3A_103 = arith.constant 400 : index
    %swap3A_104 = tpu.vector_load %arg10[%swap3A_103] {strides = array<i32>} : memref<1024xf32, #tpu.memory_space<vmem>>, vector<16xf32>,
    tpu.vector_store %arg10[%swap3A_103], %broadcast_in_dim3A_3 {strides = array<i32>} : memref<1024xf32, #tpu.memory_space<vmem>>, vector<16xf32>,
    %swap3A_105 = arith.constant 400 : index
    %swap3A_106 = tpu.vector_load %arg11[%swap3A_105] {strides = array<i32>} : memref<1024xf32, #tpu.memory_space<vmem>>, vector<16xf32>,
    tpu.vector_store %arg11[%swap3A_105], %broadcast_in_dim3A_3 {strides = array<i32>} : memref<1024xf32, #tpu.memory_space<vmem>>, vector<16xf32>,
    %swap3A_107 = arith.constant 416 : index
    %swap3A_108 = tpu.vector_load %arg10[%swap3A_107] {strides = array<i32>} : memref<1024xf32, #tpu.memory_space<vmem>>, vector<16xf32>,
    tpu.vector_store %arg10[%swap3A_107], %broadcast_in_dim3A_3 {strides = array<i32>} : memref<1024xf32, #tpu.memory_space<vmem>>, vector<16xf32>,
    %swap3A_109 = arith.constant 416 : index
    %swap3A_110 = tpu.vector_load %arg11[%swap3A_109] {strides = array<i32>} : memref<1024xf32, #tpu.memory_space<vmem>>, vector<16xf32>,
    tpu.vector_store %arg11[%swap3A_109], %broadcast_in_dim3A_3 {strides = array<i32>} : memref<1024xf32, #tpu.memory_space<vmem>>, vector<16xf32>,
    %swap3A_111 = arith.constant 432 : index
    %swap3A_112 = tpu.vector_load %arg10[%swap3A_111] {strides = array<i32>} : memref<1024xf32, #tpu.memory_space<vmem>>, vector<16xf32>,
    tpu.vector_store %arg10[%swap3A_111], %broadcast_in_dim3A_3 {strides = array<i32>} : memref<1024xf32, #tpu.memory_space<vmem>>, vector<16xf32>,
    %swap3A_113 = arith.constant 432 : index
    %swap3A_114 = tpu.vector_load %arg11[%swap3A_113] {strides = array<i32>} : memref<1024xf32, #tpu.memory_space<vmem>>, vector<16xf32>,
    tpu.vector_store %arg11[%swap3A_113], %broadcast_in_dim3A_3 {strides = array<i32>} : memref<1024xf32, #tpu.memory_space<vmem>>, vector<16xf32>,
    %swap3A_115 = arith.constant 448 : index
    %swap3A_116 = tpu.vector_load %arg10[%swap3A_115] {strides = array<i32>} : memref<1024xf32, #tpu.memory_space<vmem>>, vector<16xf32>,
    tpu.vector_store %arg10[%swap3A_115], %broadcast_in_dim3A_3 {strides = array<i32>} : memref<1024xf32, #tpu.memory_space<vmem>>, vector<16xf32>,
    %swap3A_117 = arith.constant 448 : index
    %swap3A_118 = tpu.vector_load %arg11[%swap3A_117] {strides = array<i32>} : memref<1024xf32, #tpu.memory_space<vmem>>, vector<16xf32>,
    tpu.vector_store %arg11[%swap3A_117], %broadcast_in_dim3A_3 {strides = array<i32>} : memref<1024xf32, #tpu.memory_space<vmem>>, vector<16xf32>,
    %swap3A_119 = arith.constant 464 : index
    %swap3A_120 = tpu.vector_load %arg10[%swap3A_119] {strides = array<i32>} : memref<1024xf32, #tpu.memory_space<vmem>>, vector<16xf32>,
    tpu.vector_store %arg10[%swap3A_119], %broadcast_in_dim3A_3 {strides = array<i32>} : memref<1024xf32, #tpu.memory_space<vmem>>, vector<16xf32>,
    %swap3A_121 = arith.constant 464 : index
    %swap3A_122 = tpu.vector_load %arg11[%swap3A_121] {strides = array<i32>} : memref<1024xf32, #tpu.memory_space<vmem>>, vector<16xf32>,
    tpu.vector_store %arg11[%swap3A_121], %broadcast_in_dim3A_3 {strides = array<i32>} : memref<1024xf32, #tpu.memory_space<vmem>>, vector<16xf32>,
    %swap3A_123 = arith.constant 480 : index
    %swap3A_124 = tpu.vector_load %arg10[%swap3A_123] {strides = array<i32>} : memref<1024xf32, #tpu.memory_space<vmem>>, vector<16xf32>,
    tpu.vector_store %arg10[%swap3A_123], %broadcast_in_dim3A_3 {strides = array<i32>} : memref<1024xf32, #tpu.memory_space<vmem>>, vector<16xf32>,
    %swap3A_125 = arith.constant 480 : index
    %swap3A_126 = tpu.vector_load %arg11[%swap3A_125] {strides = array<i32>} : memref<1024xf32, #tpu.memory_space<vmem>>, vector<16xf32>,
    tpu.vector_store %arg11[%swap3A_125], %broadcast_in_dim3A_3 {strides = array<i32>} : memref<1024xf32, #tpu.memory_space<vmem>>, vector<16xf32>,
    %swap3A_127 = arith.constant 496 : index
    %swap3A_128 = tpu.vector_load %arg10[%swap3A_127] {strides = array<i32>} : memref<1024xf32, #tpu.memory_space<vmem>>, vector<16xf32>,
    tpu.vector_store %arg10[%swap3A_127], %broadcast_in_dim3A_3 {strides = array<i32>} : memref<1024xf32, #tpu.memory_space<vmem>>, vector<16xf32>,
    %swap3A_129 = arith.constant 496 : index
    %swap3A_130 = tpu.vector_load %arg11[%swap3A_129] {strides = array<i32>} : memref<1024xf32, #tpu.memory_space<vmem>>, vector<16xf32>,
    tpu.vector_store %arg11[%swap3A_129], %broadcast_in_dim3A_3 {strides = array<i32>} : memref<1024xf32, #tpu.memory_space<vmem>>, vector<16xf32>,
    %swap3A_131 = arith.constant 512 : index
    %swap3A_132 = tpu.vector_load %arg10[%swap3A_131] {strides = array<i32>} : memref<1024xf32, #tpu.memory_space<vmem>>, vector<16xf32>,
    tpu.vector_store %arg10[%swap3A_131], %broadcast_in_dim3A_3 {strides = array<i32>} : memref<1024xf32, #tpu.memory_space<vmem>>, vector<16xf32>,
    %swap3A_133 = arith.constant 512 : index
    %swap3A_134 = tpu.vector_load %arg11[%swap3A_133] {strides = array<i32>} : memref<1024xf32, #tpu.memory_space<vmem>>, vector<16xf32>,
    tpu.vector_store %arg11[%swap3A_133], %broadcast_in_dim3A_3 {strides = array<i32>} : memref<1024xf32, #tpu.memory_space<vmem>>, vector<16xf32>,
    %swap3A_135 = arith.constant 528 : index
    %swap3A_136 = tpu.vector_load %arg10[%swap3A_135] {strides = array<i32>} : memref<1024xf32, #tpu.memory_space<vmem>>, vector<16xf32>,
    tpu.vector_store %arg10[%swap3A_135], %broadcast_in_dim3A_3 {strides = array<i32>} : memref<1024xf32, #tpu.memory_space<vmem>>, vector<16xf32>,
    %swap3A_137 = arith.constant 528 : index
    %swap3A_138 = tpu.vector_load %arg11[%swap3A_137] {strides = array<i32>} : memref<1024xf32, #tpu.memory_space<vmem>>, vector<16xf32>,
    tpu.vector_store %arg11[%swap3A_137], %broadcast_in_dim3A_3 {strides = array<i32>} : memref<1024xf32, #tpu.memory_space<vmem>>, vector<16xf32>,
    %swap3A_139 = arith.constant 544 : index
    %swap3A_140 = tpu.vector_load %arg10[%swap3A_139] {strides = array<i32>} : memref<1024xf32, #tpu.memory_space<vmem>>, vector<16xf32>,
    tpu.vector_store %arg10[%swap3A_139], %broadcast_in_dim3A_3 {strides = array<i32>} : memref<1024xf32, #tpu.memory_space<vmem>>, vector<16xf32>,
    %swap3A_141 = arith.constant 544 : index
    %swap3A_142 = tpu.vector_load %arg11[%swap3A_141] {strides = array<i32>} : memref<1024xf32, #tpu.memory_space<vmem>>, vector<16xf32>,
    tpu.vector_store %arg11[%swap3A_141], %broadcast_in_dim3A_3 {strides = array<i32>} : memref<1024xf32, #tpu.memory_space<vmem>>, vector<16xf32>,
    %swap3A_143 = arith.constant 560 : index
    %swap3A_144 = tpu.vector_load %arg10[%swap3A_143] {strides = array<i32>} : memref<1024xf32, #tpu.memory_space<vmem>>, vector<16xf32>,
    tpu.vector_store %arg10[%swap3A_143], %broadcast_in_dim3A_3 {strides = array<i32>} : memref<1024xf32, #tpu.memory_space<vmem>>, vector<16xf32>,
    %swap3A_145 = arith.constant 560 : index
    %swap3A_146 = tpu.vector_load %arg11[%swap3A_145] {strides = array<i32>} : memref<1024xf32, #tpu.memory_space<vmem>>, vector<16xf32>,
    tpu.vector_store %arg11[%swap3A_145], %broadcast_in_dim3A_3 {strides = array<i32>} : memref<1024xf32, #tpu.memory_space<vmem>>, vector<16xf32>,
    %swap3A_147 = arith.constant 576 : index
    %swap3A_148 = tpu.vector_load %arg10[%swap3A_147] {strides = array<i32>} : memref<1024xf32, #tpu.memory_space<vmem>>, vector<16xf32>,
    tpu.vector_store %arg10[%swap3A_147], %broadcast_in_dim3A_3 {strides = array<i32>} : memref<1024xf32, #tpu.memory_space<vmem>>, vector<16xf32>,
    %swap3A_149 = arith.constant 576 : index
    %swap3A_150 = tpu.vector_load %arg11[%swap3A_149] {strides = array<i32>} : memref<1024xf32, #tpu.memory_space<vmem>>, vector<16xf32>,
    tpu.vector_store %arg11[%swap3A_149], %broadcast_in_dim3A_3 {strides = array<i32>} : memref<1024xf32, #tpu.memory_space<vmem>>, vector<16xf32>,
    %swap3A_151 = arith.constant 592 : index
    %swap3A_152 = tpu.vector_load %arg10[%swap3A_151] {strides = array<i32>} : memref<1024xf32, #tpu.memory_space<vmem>>, vector<16xf32>,
    tpu.vector_store %arg10[%swap3A_151], %broadcast_in_dim3A_3 {strides = array<i32>} : memref<1024xf32, #tpu.memory_space<vmem>>, vector<16xf32>,
    %swap3A_153 = arith.constant 592 : index
    %swap3A_154 = tpu.vector_load %arg11[%swap3A_153] {strides = array<i32>} : memref<1024xf32, #tpu.memory_space<vmem>>, vector<16xf32>,
    tpu.vector_store %arg11[%swap3A_153], %broadcast_in_dim3A_3 {strides = array<i32>} : memref<1024xf32, #tpu.memory_space<vmem>>, vector<16xf32>,
    %swap3A_155 = arith.constant 608 : index
    %swap3A_156 = tpu.vector_load %arg10[%swap3A_155] {strides = array<i32>} : memref<1024xf32, #tpu.memory_space<vmem>>, vector<16xf32>,
    tpu.vector_store %arg10[%swap3A_155], %broadcast_in_dim3A_3 {strides = array<i32>} : memref<1024xf32, #tpu.memory_space<vmem>>, vector<16xf32>,
    %swap3A_157 = arith.constant 608 : index
    %swap3A_158 = tpu.vector_load %arg11[%swap3A_157] {strides = array<i32>} : memref<1024xf32, #tpu.memory_space<vmem>>, vector<16xf32>,
    tpu.vector_store %arg11[%swap3A_157], %broadcast_in_dim3A_3 {strides = array<i32>} : memref<1024xf32, #tpu.memory_space<vmem>>, vector<16xf32>,
    %swap3A_159 = arith.constant 624 : index
    %swap3A_160 = tpu.vector_load %arg10[%swap3A_159] {strides = array<i32>} : memref<1024xf32, #tpu.memory_space<vmem>>, vector<16xf32>,
    tpu.vector_store %arg10[%swap3A_159], %broadcast_in_dim3A_3 {strides = array<i32>} : memref<1024xf32, #tpu.memory_space<vmem>>, vector<16xf32>,
    %swap3A_161 = arith.constant 624 : index
    %swap3A_162 = tpu.vector_load %arg11[%swap3A_161] {strides = array<i32>} : memref<1024xf32, #tpu.memory_space<vmem>>, vector<16xf32>,
    tpu.vector_store %arg11[%swap3A_161], %broadcast_in_dim3A_3 {strides = array<i32>} : memref<1024xf32, #tpu.memory_space<vmem>>, vector<16xf32>,
    %swap3A_163 = arith.constant 640 : index
    %swap3A_164 = tpu.vector_load %arg10[%swap3A_163] {strides = array<i32>} : memref<1024xf32, #tpu.memory_space<vmem>>, vector<16xf32>,
    tpu.vector_store %arg10[%swap3A_163], %broadcast_in_dim3A_3 {strides = array<i32>} : memref<1024xf32, #tpu.memory_space<vmem>>, vector<16xf32>,
    %swap3A_165 = arith.constant 640 : index
    %swap3A_166 = tpu.vector_load %arg11[%swap3A_165] {strides = array<i32>} : memref<1024xf32, #tpu.memory_space<vmem>>, vector<16xf32>,
    tpu.vector_store %arg11[%swap3A_165], %broadcast_in_dim3A_3 {strides = array<i32>} : memref<1024xf32, #tpu.memory_space<vmem>>, vector<16xf32>,
    %swap3A_167 = arith.constant 656 : index
    %swap3A_168 = tpu.vector_load %arg10[%swap3A_167] {strides = array<i32>} : memref<1024xf32, #tpu.memory_space<vmem>>, vector<16xf32>,
    tpu.vector_store %arg10[%swap3A_167], %broadcast_in_dim3A_3 {strides = array<i32>} : memref<1024xf32, #tpu.memory_space<vmem>>, vector<16xf32>,
    %swap3A_169 = arith.constant 656 : index
    %swap3A_170 = tpu.vector_load %arg11[%swap3A_169] {strides = array<i32>} : memref<1024xf32, #tpu.memory_space<vmem>>, vector<16xf32>,
    tpu.vector_store %arg11[%swap3A_169], %broadcast_in_dim3A_3 {strides = array<i32>} : memref<1024xf32, #tpu.memory_space<vmem>>, vector<16xf32>,
    %swap3A_171 = arith.constant 672 : index
    %swap3A_172 = tpu.vector_load %arg10[%swap3A_171] {strides = array<i32>} : memref<1024xf32, #tpu.memory_space<vmem>>, vector<16xf32>,
    tpu.vector_store %arg10[%swap3A_171], %broadcast_in_dim3A_3 {strides = array<i32>} : memref<1024xf32, #tpu.memory_space<vmem>>, vector<16xf32>,
    %swap3A_173 = arith.constant 672 : index
    %swap3A_174 = tpu.vector_load %arg11[%swap3A_173] {strides = array<i32>} : memref<1024xf32, #tpu.memory_space<vmem>>, vector<16xf32>,
    tpu.vector_store %arg11[%swap3A_173], %broadcast_in_dim3A_3 {strides = array<i32>} : memref<1024xf32, #tpu.memory_space<vmem>>, vector<16xf32>,
    %swap3A_175 = arith.constant 688 : index
    %swap3A_176 = tpu.vector_load %arg10[%swap3A_175] {strides = array<i32>} : memref<1024xf32, #tpu.memory_space<vmem>>, vector<16xf32>,
    tpu.vector_store %arg10[%swap3A_175], %broadcast_in_dim3A_3 {strides = array<i32>} : memref<1024xf32, #tpu.memory_space<vmem>>, vector<16xf32>,
    %swap3A_177 = arith.constant 688 : index
    %swap3A_178 = tpu.vector_load %arg11[%swap3A_177] {strides = array<i32>} : memref<1024xf32, #tpu.memory_space<vmem>>, vector<16xf32>,
    tpu.vector_store %arg11[%swap3A_177], %broadcast_in_dim3A_3 {strides = array<i32>} : memref<1024xf32, #tpu.memory_space<vmem>>, vector<16xf32>,
    %swap3A_179 = arith.constant 704 : index
    %swap3A_180 = tpu.vector_load %arg10[%swap3A_179] {strides = array<i32>} : memref<1024xf32, #tpu.memory_space<vmem>>, vector<16xf32>,
    tpu.vector_store %arg10[%swap3A_179], %broadcast_in_dim3A_3 {strides = array<i32>} : memref<1024xf32, #tpu.memory_space<vmem>>, vector<16xf32>,
    %swap3A_181 = arith.constant 704 : index
    %swap3A_182 = tpu.vector_load %arg11[%swap3A_181] {strides = array<i32>} : memref<1024xf32, #tpu.memory_space<vmem>>, vector<16xf32>,
    tpu.vector_store %arg11[%swap3A_181], %broadcast_in_dim3A_3 {strides = array<i32>} : memref<1024xf32, #tpu.memory_space<vmem>>, vector<16xf32>,
    %swap3A_183 = arith.constant 720 : index
    %swap3A_184 = tpu.vector_load %arg10[%swap3A_183] {strides = array<i32>} : memref<1024xf32, #tpu.memory_space<vmem>>, vector<16xf32>,
    tpu.vector_store %arg10[%swap3A_183], %broadcast_in_dim3A_3 {strides = array<i32>} : memref<1024xf32, #tpu.memory_space<vmem>>, vector<16xf32>,
    %swap3A_185 = arith.constant 720 : index
    %swap3A_186 = tpu.vector_load %arg11[%swap3A_185] {strides = array<i32>} : memref<1024xf32, #tpu.memory_space<vmem>>, vector<16xf32>,
    tpu.vector_store %arg11[%swap3A_185], %broadcast_in_dim3A_3 {strides = array<i32>} : memref<1024xf32, #tpu.memory_space<vmem>>, vector<16xf32>,
    %swap3A_187 = arith.constant 736 : index
    %swap3A_188 = tpu.vector_load %arg10[%swap3A_187] {strides = array<i32>} : memref<1024xf32, #tpu.memory_space<vmem>>, vector<16xf32>,
    tpu.vector_store %arg10[%swap3A_187], %broadcast_in_dim3A_3 {strides = array<i32>} : memref<1024xf32, #tpu.memory_space<vmem>>, vector<16xf32>,
    %swap3A_189 = arith.constant 736 : index
    %swap3A_190 = tpu.vector_load %arg11[%swap3A_189] {strides = array<i32>} : memref<1024xf32, #tpu.memory_space<vmem>>, vector<16xf32>,
    tpu.vector_store %arg11[%swap3A_189], %broadcast_in_dim3A_3 {strides = array<i32>} : memref<1024xf32, #tpu.memory_space<vmem>>, vector<16xf32>,
    %swap3A_191 = arith.constant 752 : index
    %swap3A_192 = tpu.vector_load %arg10[%swap3A_191] {strides = array<i32>} : memref<1024xf32, #tpu.memory_space<vmem>>, vector<16xf32>,
    tpu.vector_store %arg10[%swap3A_191], %broadcast_in_dim3A_3 {strides = array<i32>} : memref<1024xf32, #tpu.memory_space<vmem>>, vector<16xf32>,
    %swap3A_193 = arith.constant 752 : index
    %swap3A_194 = tpu.vector_load %arg11[%swap3A_193] {strides = array<i32>} : memref<1024xf32, #tpu.memory_space<vmem>>, vector<16xf32>,
    tpu.vector_store %arg11[%swap3A_193], %broadcast_in_dim3A_3 {strides = array<i32>} : memref<1024xf32, #tpu.memory_space<vmem>>, vector<16xf32>,
    %swap3A_195 = arith.constant 768 : index
    %swap3A_196 = tpu.vector_load %arg10[%swap3A_195] {strides = array<i32>} : memref<1024xf32, #tpu.memory_space<vmem>>, vector<16xf32>,
    tpu.vector_store %arg10[%swap3A_195], %broadcast_in_dim3A_3 {strides = array<i32>} : memref<1024xf32, #tpu.memory_space<vmem>>, vector<16xf32>,
    %swap3A_197 = arith.constant 768 : index
    %swap3A_198 = tpu.vector_load %arg11[%swap3A_197] {strides = array<i32>} : memref<1024xf32, #tpu.memory_space<vmem>>, vector<16xf32>,
    tpu.vector_store %arg11[%swap3A_197], %broadcast_in_dim3A_3 {strides = array<i32>} : memref<1024xf32, #tpu.memory_space<vmem>>, vector<16xf32>,
    %swap3A_199 = arith.constant 784 : index
    %swap3A_200 = tpu.vector_load %arg10[%swap3A_199] {strides = array<i32>} : memref<1024xf32, #tpu.memory_space<vmem>>, vector<16xf32>,
    tpu.vector_store %arg10[%swap3A_199], %broadcast_in_dim3A_3 {strides = array<i32>} : memref<1024xf32, #tpu.memory_space<vmem>>, vector<16xf32>,
    %swap3A_201 = arith.constant 784 : index
    %swap3A_202 = tpu.vector_load %arg11[%swap3A_201] {strides = array<i32>} : memref<1024xf32, #tpu.memory_space<vmem>>, vector<16xf32>,
    tpu.vector_store %arg11[%swap3A_201], %broadcast_in_dim3A_3 {strides = array<i32>} : memref<1024xf32, #tpu.memory_space<vmem>>, vector<16xf32>,
    %swap3A_203 = arith.constant 800 : index
    %swap3A_204 = tpu.vector_load %arg10[%swap3A_203] {strides = array<i32>} : memref<1024xf32, #tpu.memory_space<vmem>>, vector<16xf32>,
    tpu.vector_store %arg10[%swap3A_203], %broadcast_in_dim3A_3 {strides = array<i32>} : memref<1024xf32, #tpu.memory_space<vmem>>, vector<16xf32>,
    %swap3A_205 = arith.constant 800 : index
    %swap3A_206 = tpu.vector_load %arg11[%swap3A_205] {strides = array<i32>} : memref<1024xf32, #tpu.memory_space<vmem>>, vector<16xf32>,
    tpu.vector_store %arg11[%swap3A_205], %broadcast_in_dim3A_3 {strides = array<i32>} : memref<1024xf32, #tpu.memory_space<vmem>>, vector<16xf32>,
    %swap3A_207 = arith.constant 816 : index
    %swap3A_208 = tpu.vector_load %arg10[%swap3A_207] {strides = array<i32>} : memref<1024xf32, #tpu.memory_space<vmem>>, vector<16xf32>,
    tpu.vector_store %arg10[%swap3A_207], %broadcast_in_dim3A_3 {strides = array<i32>} : memref<1024xf32, #tpu.memory_space<vmem>>, vector<16xf32>,
    %swap3A_209 = arith.constant 816 : index
    %swap3A_210 = tpu.vector_load %arg11[%swap3A_209] {strides = array<i32>} : memref<1024xf32, #tpu.memory_space<vmem>>, vector<16xf32>,
    tpu.vector_store %arg11[%swap3A_209], %broadcast_in_dim3A_3 {strides = array<i32>} : memref<1024xf32, #tpu.memory_space<vmem>>, vector<16xf32>,
    %swap3A_211 = arith.constant 832 : index
    %swap3A_212 = tpu.vector_load %arg10[%swap3A_211] {strides = array<i32>} : memref<1024xf32, #tpu.memory_space<vmem>>, vector<16xf32>,
    tpu.vector_store %arg10[%swap3A_211], %broadcast_in_dim3A_3 {strides = array<i32>} : memref<1024xf32, #tpu.memory_space<vmem>>, vector<16xf32>,
    %swap3A_213 = arith.constant 832 : index
    %swap3A_214 = tpu.vector_load %arg11[%swap3A_213] {strides = array<i32>} : memref<1024xf32, #tpu.memory_space<vmem>>, vector<16xf32>,
    tpu.vector_store %arg11[%swap3A_213], %broadcast_in_dim3A_3 {strides = array<i32>} : memref<1024xf32, #tpu.memory_space<vmem>>, vector<16xf32>,
    %swap3A_215 = arith.constant 848 : index
    %swap3A_216 = tpu.vector_load %arg10[%swap3A_215] {strides = array<i32>} : memref<1024xf32, #tpu.memory_space<vmem>>, vector<16xf32>,
    tpu.vector_store %arg10[%swap3A_215], %broadcast_in_dim3A_3 {strides = array<i32>} : memref<1024xf32, #tpu.memory_space<vmem>>, vector<16xf32>,
    %swap3A_217 = arith.constant 848 : index
    %swap3A_218 = tpu.vector_load %arg11[%swap3A_217] {strides = array<i32>} : memref<1024xf32, #tpu.memory_space<vmem>>, vector<16xf32>,
    tpu.vector_store %arg11[%swap3A_217], %broadcast_in_dim3A_3 {strides = array<i32>} : memref<1024xf32, #tpu.memory_space<vmem>>, vector<16xf32>,
    %swap3A_219 = arith.constant 864 : index
    %swap3A_220 = tpu.vector_load %arg10[%swap3A_219] {strides = array<i32>} : memref<1024xf32, #tpu.memory_space<vmem>>, vector<16xf32>,
    tpu.vector_store %arg10[%swap3A_219], %broadcast_in_dim3A_3 {strides = array<i32>} : memref<1024xf32, #tpu.memory_space<vmem>>, vector<16xf32>,
    %swap3A_221 = arith.constant 864 : index
    %swap3A_222 = tpu.vector_load %arg11[%swap3A_221] {strides = array<i32>} : memref<1024xf32, #tpu.memory_space<vmem>>, vector<16xf32>,
    tpu.vector_store %arg11[%swap3A_221], %broadcast_in_dim3A_3 {strides = array<i32>} : memref<1024xf32, #tpu.memory_space<vmem>>, vector<16xf32>,
    %swap3A_223 = arith.constant 880 : index
    %swap3A_224 = tpu.vector_load %arg10[%swap3A_223] {strides = array<i32>} : memref<1024xf32, #tpu.memory_space<vmem>>, vector<16xf32>,
    tpu.vector_store %arg10[%swap3A_223], %broadcast_in_dim3A_3 {strides = array<i32>} : memref<1024xf32, #tpu.memory_space<vmem>>, vector<16xf32>,
    %swap3A_225 = arith.constant 880 : index
    %swap3A_226 = tpu.vector_load %arg11[%swap3A_225] {strides = array<i32>} : memref<1024xf32, #tpu.memory_space<vmem>>, vector<16xf32>,
    tpu.vector_store %arg11[%swap3A_225], %broadcast_in_dim3A_3 {strides = array<i32>} : memref<1024xf32, #tpu.memory_space<vmem>>, vector<16xf32>,
    %swap3A_227 = arith.constant 896 : index
    %swap3A_228 = tpu.vector_load %arg10[%swap3A_227] {strides = array<i32>} : memref<1024xf32, #tpu.memory_space<vmem>>, vector<16xf32>,
    tpu.vector_store %arg10[%swap3A_227], %broadcast_in_dim3A_3 {strides = array<i32>} : memref<1024xf32, #tpu.memory_space<vmem>>, vector<16xf32>,
    %swap3A_229 = arith.constant 896 : index
    %swap3A_230 = tpu.vector_load %arg11[%swap3A_229] {strides = array<i32>} : memref<1024xf32, #tpu.memory_space<vmem>>, vector<16xf32>,
    tpu.vector_store %arg11[%swap3A_229], %broadcast_in_dim3A_3 {strides = array<i32>} : memref<1024xf32, #tpu.memory_space<vmem>>, vector<16xf32>,
    %swap3A_231 = arith.constant 912 : index
    %swap3A_232 = tpu.vector_load %arg10[%swap3A_231] {strides = array<i32>} : memref<1024xf32, #tpu.memory_space<vmem>>, vector<16xf32>,
    tpu.vector_store %arg10[%swap3A_231], %broadcast_in_dim3A_3 {strides = array<i32>} : memref<1024xf32, #tpu.memory_space<vmem>>, vector<16xf32>,
    %swap3A_233 = arith.constant 912 : index
    %swap3A_234 = tpu.vector_load %arg11[%swap3A_233] {strides = array<i32>} : memref<1024xf32, #tpu.memory_space<vmem>>, vector<16xf32>,
    tpu.vector_store %arg11[%swap3A_233], %broadcast_in_dim3A_3 {strides = array<i32>} : memref<1024xf32, #tpu.memory_space<vmem>>, vector<16xf32>,
    %swap3A_235 = arith.constant 928 : index
    %swap3A_236 = tpu.vector_load %arg10[%swap3A_235] {strides = array<i32>} : memref<1024xf32, #tpu.memory_space<vmem>>, vector<16xf32>,
    tpu.vector_store %arg10[%swap3A_235], %broadcast_in_dim3A_3 {strides = array<i32>} : memref<1024xf32, #tpu.memory_space<vmem>>, vector<16xf32>,
    %swap3A_237 = arith.constant 928 : index
    %swap3A_238 = tpu.vector_load %arg11[%swap3A_237] {strides = array<i32>} : memref<1024xf32, #tpu.memory_space<vmem>>, vector<16xf32>,
    tpu.vector_store %arg11[%swap3A_237], %broadcast_in_dim3A_3 {strides = array<i32>} : memref<1024xf32, #tpu.memory_space<vmem>>, vector<16xf32>,
    %swap3A_239 = arith.constant 944 : index
    %swap3A_240 = tpu.vector_load %arg10[%swap3A_239] {strides = array<i32>} : memref<1024xf32, #tpu.memory_space<vmem>>, vector<16xf32>,
    tpu.vector_store %arg10[%swap3A_239], %broadcast_in_dim3A_3 {strides = array<i32>} : memref<1024xf32, #tpu.memory_space<vmem>>, vector<16xf32>,
    %swap3A_241 = arith.constant 944 : index
    %swap3A_242 = tpu.vector_load %arg11[%swap3A_241] {strides = array<i32>} : memref<1024xf32, #tpu.memory_space<vmem>>, vector<16xf32>,
    tpu.vector_store %arg11[%swap3A_241], %broadcast_in_dim3A_3 {strides = array<i32>} : memref<1024xf32, #tpu.memory_space<vmem>>, vector<16xf32>,
    %swap3A_243 = arith.constant 960 : index
    %swap3A_244 = tpu.vector_load %arg10[%swap3A_243] {strides = array<i32>} : memref<1024xf32, #tpu.memory_space<vmem>>, vector<16xf32>,
    tpu.vector_store %arg10[%swap3A_243], %broadcast_in_dim3A_3 {strides = array<i32>} : memref<1024xf32, #tpu.memory_space<vmem>>, vector<16xf32>,
    %swap3A_245 = arith.constant 960 : index
    %swap3A_246 = tpu.vector_load %arg11[%swap3A_245] {strides = array<i32>} : memref<1024xf32, #tpu.memory_space<vmem>>, vector<16xf32>,
    tpu.vector_store %arg11[%swap3A_245], %broadcast_in_dim3A_3 {strides = array<i32>} : memref<1024xf32, #tpu.memory_space<vmem>>, vector<16xf32>,
    %swap3A_247 = arith.constant 976 : index
    %swap3A_248 = tpu.vector_load %arg10[%swap3A_247] {strides = array<i32>} : memref<1024xf32, #tpu.memory_space<vmem>>, vector<16xf32>,
    tpu.vector_store %arg10[%swap3A_247], %broadcast_in_dim3A_3 {strides = array<i32>} : memref<1024xf32, #tpu.memory_space<vmem>>, vector<16xf32>,
    %swap3A_249 = arith.constant 976 : index
    %swap3A_250 = tpu.vector_load %arg11[%swap3A_249] {strides = array<i32>} : memref<1024xf32, #tpu.memory_space<vmem>>, vector<16xf32>,
    tpu.vector_store %arg11[%swap3A_249], %broadcast_in_dim3A_3 {strides = array<i32>} : memref<1024xf32, #tpu.memory_space<vmem>>, vector<16xf32>,
    %swap3A_251 = arith.constant 992 : index
    %swap3A_252 = tpu.vector_load %arg10[%swap3A_251] {strides = array<i32>} : memref<1024xf32, #tpu.memory_space<vmem>>, vector<16xf32>,
    tpu.vector_store %arg10[%swap3A_251], %broadcast_in_dim3A_3 {strides = array<i32>} : memref<1024xf32, #tpu.memory_space<vmem>>, vector<16xf32>,
    %swap3A_253 = arith.constant 992 : index
    %swap3A_254 = tpu.vector_load %arg11[%swap3A_253] {strides = array<i32>} : memref<1024xf32, #tpu.memory_space<vmem>>, vector<16xf32>,
    tpu.vector_store %arg11[%swap3A_253], %broadcast_in_dim3A_3 {strides = array<i32>} : memref<1024xf32, #tpu.memory_space<vmem>>, vector<16xf32>,
    %swap3A_255 = arith.constant 1008 : index
    %swap3A_256 = tpu.vector_load %arg10[%swap3A_255] {strides = array<i32>} : memref<1024xf32, #tpu.memory_space<vmem>>, vector<16xf32>,
    tpu.vector_store %arg10[%swap3A_255], %broadcast_in_dim3A_3 {strides = array<i32>} : memref<1024xf32, #tpu.memory_space<vmem>>, vector<16xf32>,
    %swap3A_257 = arith.constant 1008 : index
    %swap3A_258 = tpu.vector_load %arg11[%swap3A_257] {strides = array<i32>} : memref<1024xf32, #tpu.memory_space<vmem>>, vector<16xf32>,
    tpu.vector_store %arg11[%swap3A_257], %broadcast_in_dim3A_3 {strides = array<i32>} : memref<1024xf32, #tpu.memory_space<vmem>>, vector<16xf32>,
    %iota3A = tpu.iota {dimensions = array<i32: 0>} : vector<16xi32>
    %broadcast_in_dim3A_259 = arith.constant 1.000000e+00 : f32
    %broadcast_in_dim3A_260 = vector.broadcast %broadcast_in_dim3A_259 : f32 to vector<16xf32>
    %add3A_261 = arith.constant 0 : i32
    %add3A_262 = arith.addi %mul3A_2, %add3A_261 : i32
    %dma_start3A = tpu.memref_slice %arg2[%add3A_262] : memref<1600000xf32, #tpu.memory_space<hbm>> -> memref<10000xf32, #tpu.memory_space<hbm>>
    %dma_start3A_263 = tpu.memref_slice %arg2[%add3A_262] : memref<1600000xf32, #tpu.memory_space<hbm>> -> memref<10000xf32, #tpu.memory_space<hbm>>
    tpu.enqueue_dma source(%dma_start3A_263 : memref<10000xf32, #tpu.memory_space<hbm>>) target(%arg6 : memref<10000xf32, #tpu.memory_space<vmem>>) target_semaphore(%arg14 : memref<!tpu.dma_semaphore, #tpu.memory_space<semaphore_mem>>)
    %dma_start3A_264 = tpu.memref_slice %arg3[%add3A_262] : memref<1600000xi32, #tpu.memory_space<hbm>> -> memref<10000xi32, #tpu.memory_space<hbm>>
    %dma_start3A_265 = tpu.memref_slice %arg3[%add3A_262] : memref<1600000xi32, #tpu.memory_space<hbm>> -> memref<10000xi32, #tpu.memory_space<hbm>>
    tpu.enqueue_dma source(%dma_start3A_265 : memref<10000xi32, #tpu.memory_space<hbm>>) target(%arg8 : memref<10000xi32, #tpu.memory_space<vmem>>) target_semaphore(%arg14 : memref<!tpu.dma_semaphore, #tpu.memory_space<semaphore_mem>>)
    %add3A_266 = arith.constant 10000 : i32
    %add3A_267 = arith.addi %mul3A_2, %add3A_266 : i32
    %dma_start3A_268 = tpu.memref_slice %arg2[%add3A_267] : memref<1600000xf32, #tpu.memory_space<hbm>> -> memref<10000xf32, #tpu.memory_space<hbm>>
    %dma_start3A_269 = tpu.memref_slice %arg2[%add3A_267] : memref<1600000xf32, #tpu.memory_space<hbm>> -> memref<10000xf32, #tpu.memory_space<hbm>>
    tpu.enqueue_dma source(%dma_start3A_269 : memref<10000xf32, #tpu.memory_space<hbm>>) target(%arg7 : memref<10000xf32, #tpu.memory_space<vmem>>) target_semaphore(%arg15 : memref<!tpu.dma_semaphore, #tpu.memory_space<semaphore_mem>>)
    %dma_start3A_270 = tpu.memref_slice %arg3[%add3A_267] : memref<1600000xi32, #tpu.memory_space<hbm>> -> memref<10000xi32, #tpu.memory_space<hbm>>
    %dma_start3A_271 = tpu.memref_slice %arg3[%add3A_267] : memref<1600000xi32, #tpu.memory_space<hbm>> -> memref<10000xi32, #tpu.memory_space<hbm>>
    tpu.enqueue_dma source(%dma_start3A_271 : memref<10000xi32, #tpu.memory_space<hbm>>) target(%arg9 : memref<10000xi32, #tpu.memory_space<vmem>>) target_semaphore(%arg15 : memref<!tpu.dma_semaphore, #tpu.memory_space<semaphore_mem>>)
    %dma_wait3A = tpu.memref_slice %arg2[%add3A_262] : memref<1600000xf32, #tpu.memory_space<hbm>> -> memref<10000xf32, #tpu.memory_space<hbm>>
    %dma_wait3A_272 = tpu.memref_slice %arg2[%add3A_262] : memref<1600000xf32, #tpu.memory_space<hbm>> -> memref<10000xf32, #tpu.memory_space<hbm>>
    tpu.wait_dma2 semaphore(%arg14 : memref<!tpu.dma_semaphore, #tpu.memory_space<semaphore_mem>>) src(%dma_wait3A_272 : memref<10000xf32, #tpu.memory_space<hbm>>) dst(%arg6 : memref<10000xf32, #tpu.memory_space<vmem>>)
    %dma_wait3A_273 = tpu.memref_slice %arg3[%add3A_262] : memref<1600000xi32, #tpu.memory_space<hbm>> -> memref<10000xi32, #tpu.memory_space<hbm>>
    %dma_wait3A_274 = tpu.memref_slice %arg3[%add3A_262] : memref<1600000xi32, #tpu.memory_space<hbm>> -> memref<10000xi32, #tpu.memory_space<hbm>>
    tpu.wait_dma2 semaphore(%arg14 : memref<!tpu.dma_semaphore, #tpu.memory_space<semaphore_mem>>) src(%dma_wait3A_274 : memref<10000xi32, #tpu.memory_space<hbm>>) dst(%arg8 : memref<10000xi32, #tpu.memory_space<vmem>>)
    %parallel_loop3A = arith.constant 0 : i32
    %parallel_loop3A_275 = arith.constant 625 : i32
    %parallel_loop3A_276 = arith.constant 1 : i32
    scf.for %parallel_loop3A_805 = %parallel_loop3A to %parallel_loop3A_275 step %parallel_loop3A_276  : i32 {
      %parallel_loop3A_806 = arith.constant 16 : i32
      %parallel_loop3A_807 = arith.muli %parallel_loop3A_805, %parallel_loop3A_806 : i32
      %parallel_loop3A_808 = arith.index_cast %parallel_loop3A_807 : i32 to index
      %parallel_loop3A_809 = tpu.vector_load %arg8[%parallel_loop3A_808] {strides = array<i32>} : memref<10000xi32, #tpu.memory_space<vmem>>, vector<16xi32>,
      %parallel_loop3A_810 = arith.index_cast %parallel_loop3A_807 : i32 to index
      %parallel_loop3A_811 = tpu.vector_load %arg6[%parallel_loop3A_810] {strides = array<i32>} : memref<10000xf32, #tpu.memory_space<vmem>>, vector<16xf32>,
      %parallel_loop3A_812 = arith.constant 16 : i32
      %parallel_loop3A_813 = vector.broadcast %parallel_loop3A_812 : i32 to vector<16xi32>
      %parallel_loop3A_814 = arith.muli %parallel_loop3A_809, %parallel_loop3A_813 : vector<16xi32>
      %parallel_loop3A_815 = arith.addi %parallel_loop3A_814, %iota3A : vector<16xi32>
      tpu.vector_store_idx %arg10[%parallel_loop3A_815], %parallel_loop3A_811 {add = true} : memref<1024xf32, #tpu.memory_space<vmem>>[vector<16xi32>], vector<16xf32>,
      tpu.vector_store_idx %arg11[%parallel_loop3A_815], %broadcast_in_dim3A_260 {add = true} : memref<1024xf32, #tpu.memory_space<vmem>>[vector<16xi32>], vector<16xf32>,
    } {sc.loop_unroll_factor = 8 : i64, sc.parallel_access}
    %add3A_277 = arith.constant 20000 : i32
    %add3A_278 = arith.addi %mul3A_2, %add3A_277 : i32
    %dma_start3A_279 = tpu.memref_slice %arg2[%add3A_278] : memref<1600000xf32, #tpu.memory_space<hbm>> -> memref<10000xf32, #tpu.memory_space<hbm>>
    %dma_start3A_280 = tpu.memref_slice %arg2[%add3A_278] : memref<1600000xf32, #tpu.memory_space<hbm>> -> memref<10000xf32, #tpu.memory_space<hbm>>
    tpu.enqueue_dma source(%dma_start3A_280 : memref<10000xf32, #tpu.memory_space<hbm>>) target(%arg6 : memref<10000xf32, #tpu.memory_space<vmem>>) target_semaphore(%arg14 : memref<!tpu.dma_semaphore, #tpu.memory_space<semaphore_mem>>)
    %dma_start3A_281 = tpu.memref_slice %arg3[%add3A_278] : memref<1600000xi32, #tpu.memory_space<hbm>> -> memref<10000xi32, #tpu.memory_space<hbm>>
    %dma_start3A_282 = tpu.memref_slice %arg3[%add3A_278] : memref<1600000xi32, #tpu.memory_space<hbm>> -> memref<10000xi32, #tpu.memory_space<hbm>>
    tpu.enqueue_dma source(%dma_start3A_282 : memref<10000xi32, #tpu.memory_space<hbm>>) target(%arg8 : memref<10000xi32, #tpu.memory_space<vmem>>) target_semaphore(%arg14 : memref<!tpu.dma_semaphore, #tpu.memory_space<semaphore_mem>>)
    %dma_wait3A_283 = tpu.memref_slice %arg2[%add3A_267] : memref<1600000xf32, #tpu.memory_space<hbm>> -> memref<10000xf32, #tpu.memory_space<hbm>>
    %dma_wait3A_284 = tpu.memref_slice %arg2[%add3A_267] : memref<1600000xf32, #tpu.memory_space<hbm>> -> memref<10000xf32, #tpu.memory_space<hbm>>
    tpu.wait_dma2 semaphore(%arg15 : memref<!tpu.dma_semaphore, #tpu.memory_space<semaphore_mem>>) src(%dma_wait3A_284 : memref<10000xf32, #tpu.memory_space<hbm>>) dst(%arg7 : memref<10000xf32, #tpu.memory_space<vmem>>)
    %dma_wait3A_285 = tpu.memref_slice %arg3[%add3A_267] : memref<1600000xi32, #tpu.memory_space<hbm>> -> memref<10000xi32, #tpu.memory_space<hbm>>
    %dma_wait3A_286 = tpu.memref_slice %arg3[%add3A_267] : memref<1600000xi32, #tpu.memory_space<hbm>> -> memref<10000xi32, #tpu.memory_space<hbm>>
    tpu.wait_dma2 semaphore(%arg15 : memref<!tpu.dma_semaphore, #tpu.memory_space<semaphore_mem>>) src(%dma_wait3A_286 : memref<10000xi32, #tpu.memory_space<hbm>>) dst(%arg9 : memref<10000xi32, #tpu.memory_space<vmem>>)
    %parallel_loop3A_287 = arith.constant 0 : i32
    %parallel_loop3A_288 = arith.constant 625 : i32
    %parallel_loop3A_289 = arith.constant 1 : i32
    scf.for %parallel_loop3A_805 = %parallel_loop3A_287 to %parallel_loop3A_288 step %parallel_loop3A_289  : i32 {
      %parallel_loop3A_806 = arith.constant 16 : i32
      %parallel_loop3A_807 = arith.muli %parallel_loop3A_805, %parallel_loop3A_806 : i32
      %parallel_loop3A_808 = arith.index_cast %parallel_loop3A_807 : i32 to index
      %parallel_loop3A_809 = tpu.vector_load %arg9[%parallel_loop3A_808] {strides = array<i32>} : memref<10000xi32, #tpu.memory_space<vmem>>, vector<16xi32>,
      %parallel_loop3A_810 = arith.index_cast %parallel_loop3A_807 : i32 to index
      %parallel_loop3A_811 = tpu.vector_load %arg7[%parallel_loop3A_810] {strides = array<i32>} : memref<10000xf32, #tpu.memory_space<vmem>>, vector<16xf32>,
      %parallel_loop3A_812 = arith.constant 16 : i32
      %parallel_loop3A_813 = vector.broadcast %parallel_loop3A_812 : i32 to vector<16xi32>
      %parallel_loop3A_814 = arith.muli %parallel_loop3A_809, %parallel_loop3A_813 : vector<16xi32>
      %parallel_loop3A_815 = arith.addi %parallel_loop3A_814, %iota3A : vector<16xi32>
      tpu.vector_store_idx %arg10[%parallel_loop3A_815], %parallel_loop3A_811 {add = true} : memref<1024xf32, #tpu.memory_space<vmem>>[vector<16xi32>], vector<16xf32>,
      tpu.vector_store_idx %arg11[%parallel_loop3A_815], %broadcast_in_dim3A_260 {add = true} : memref<1024xf32, #tpu.memory_space<vmem>>[vector<16xi32>], vector<16xf32>,
    } {sc.loop_unroll_factor = 8 : i64, sc.parallel_access}
    %add3A_290 = arith.constant 30000 : i32
    %add3A_291 = arith.addi %mul3A_2, %add3A_290 : i32
    %dma_start3A_292 = tpu.memref_slice %arg2[%add3A_291] : memref<1600000xf32, #tpu.memory_space<hbm>> -> memref<10000xf32, #tpu.memory_space<hbm>>
    %dma_start3A_293 = tpu.memref_slice %arg2[%add3A_291] : memref<1600000xf32, #tpu.memory_space<hbm>> -> memref<10000xf32, #tpu.memory_space<hbm>>
    tpu.enqueue_dma source(%dma_start3A_293 : memref<10000xf32, #tpu.memory_space<hbm>>) target(%arg7 : memref<10000xf32, #tpu.memory_space<vmem>>) target_semaphore(%arg15 : memref<!tpu.dma_semaphore, #tpu.memory_space<semaphore_mem>>)
    %dma_start3A_294 = tpu.memref_slice %arg3[%add3A_291] : memref<1600000xi32, #tpu.memory_space<hbm>> -> memref<10000xi32, #tpu.memory_space<hbm>>
    %dma_start3A_295 = tpu.memref_slice %arg3[%add3A_291] : memref<1600000xi32, #tpu.memory_space<hbm>> -> memref<10000xi32, #tpu.memory_space<hbm>>
    tpu.enqueue_dma source(%dma_start3A_295 : memref<10000xi32, #tpu.memory_space<hbm>>) target(%arg9 : memref<10000xi32, #tpu.memory_space<vmem>>) target_semaphore(%arg15 : memref<!tpu.dma_semaphore, #tpu.memory_space<semaphore_mem>>)
    %dma_wait3A_296 = tpu.memref_slice %arg2[%add3A_278] : memref<1600000xf32, #tpu.memory_space<hbm>> -> memref<10000xf32, #tpu.memory_space<hbm>>
    %dma_wait3A_297 = tpu.memref_slice %arg2[%add3A_278] : memref<1600000xf32, #tpu.memory_space<hbm>> -> memref<10000xf32, #tpu.memory_space<hbm>>
    tpu.wait_dma2 semaphore(%arg14 : memref<!tpu.dma_semaphore, #tpu.memory_space<semaphore_mem>>) src(%dma_wait3A_297 : memref<10000xf32, #tpu.memory_space<hbm>>) dst(%arg6 : memref<10000xf32, #tpu.memory_space<vmem>>)
    %dma_wait3A_298 = tpu.memref_slice %arg3[%add3A_278] : memref<1600000xi32, #tpu.memory_space<hbm>> -> memref<10000xi32, #tpu.memory_space<hbm>>
    %dma_wait3A_299 = tpu.memref_slice %arg3[%add3A_278] : memref<1600000xi32, #tpu.memory_space<hbm>> -> memref<10000xi32, #tpu.memory_space<hbm>>
    tpu.wait_dma2 semaphore(%arg14 : memref<!tpu.dma_semaphore, #tpu.memory_space<semaphore_mem>>) src(%dma_wait3A_299 : memref<10000xi32, #tpu.memory_space<hbm>>) dst(%arg8 : memref<10000xi32, #tpu.memory_space<vmem>>)
    %parallel_loop3A_300 = arith.constant 0 : i32
    %parallel_loop3A_301 = arith.constant 625 : i32
    %parallel_loop3A_302 = arith.constant 1 : i32
    scf.for %parallel_loop3A_805 = %parallel_loop3A_300 to %parallel_loop3A_301 step %parallel_loop3A_302  : i32 {
      %parallel_loop3A_806 = arith.constant 16 : i32
      %parallel_loop3A_807 = arith.muli %parallel_loop3A_805, %parallel_loop3A_806 : i32
      %parallel_loop3A_808 = arith.index_cast %parallel_loop3A_807 : i32 to index
      %parallel_loop3A_809 = tpu.vector_load %arg8[%parallel_loop3A_808] {strides = array<i32>} : memref<10000xi32, #tpu.memory_space<vmem>>, vector<16xi32>,
      %parallel_loop3A_810 = arith.index_cast %parallel_loop3A_807 : i32 to index
      %parallel_loop3A_811 = tpu.vector_load %arg6[%parallel_loop3A_810] {strides = array<i32>} : memref<10000xf32, #tpu.memory_space<vmem>>, vector<16xf32>,
      %parallel_loop3A_812 = arith.constant 16 : i32
      %parallel_loop3A_813 = vector.broadcast %parallel_loop3A_812 : i32 to vector<16xi32>
      %parallel_loop3A_814 = arith.muli %parallel_loop3A_809, %parallel_loop3A_813 : vector<16xi32>
      %parallel_loop3A_815 = arith.addi %parallel_loop3A_814, %iota3A : vector<16xi32>
      tpu.vector_store_idx %arg10[%parallel_loop3A_815], %parallel_loop3A_811 {add = true} : memref<1024xf32, #tpu.memory_space<vmem>>[vector<16xi32>], vector<16xf32>,
      tpu.vector_store_idx %arg11[%parallel_loop3A_815], %broadcast_in_dim3A_260 {add = true} : memref<1024xf32, #tpu.memory_space<vmem>>[vector<16xi32>], vector<16xf32>,
    } {sc.loop_unroll_factor = 8 : i64, sc.parallel_access}
    %add3A_303 = arith.constant 40000 : i32
    %add3A_304 = arith.addi %mul3A_2, %add3A_303 : i32
    %dma_start3A_305 = tpu.memref_slice %arg2[%add3A_304] : memref<1600000xf32, #tpu.memory_space<hbm>> -> memref<10000xf32, #tpu.memory_space<hbm>>
    %dma_start3A_306 = tpu.memref_slice %arg2[%add3A_304] : memref<1600000xf32, #tpu.memory_space<hbm>> -> memref<10000xf32, #tpu.memory_space<hbm>>
    tpu.enqueue_dma source(%dma_start3A_306 : memref<10000xf32, #tpu.memory_space<hbm>>) target(%arg6 : memref<10000xf32, #tpu.memory_space<vmem>>) target_semaphore(%arg14 : memref<!tpu.dma_semaphore, #tpu.memory_space<semaphore_mem>>)
    %dma_start3A_307 = tpu.memref_slice %arg3[%add3A_304] : memref<1600000xi32, #tpu.memory_space<hbm>> -> memref<10000xi32, #tpu.memory_space<hbm>>
    %dma_start3A_308 = tpu.memref_slice %arg3[%add3A_304] : memref<1600000xi32, #tpu.memory_space<hbm>> -> memref<10000xi32, #tpu.memory_space<hbm>>
    tpu.enqueue_dma source(%dma_start3A_308 : memref<10000xi32, #tpu.memory_space<hbm>>) target(%arg8 : memref<10000xi32, #tpu.memory_space<vmem>>) target_semaphore(%arg14 : memref<!tpu.dma_semaphore, #tpu.memory_space<semaphore_mem>>)
    %dma_wait3A_309 = tpu.memref_slice %arg2[%add3A_291] : memref<1600000xf32, #tpu.memory_space<hbm>> -> memref<10000xf32, #tpu.memory_space<hbm>>
    %dma_wait3A_310 = tpu.memref_slice %arg2[%add3A_291] : memref<1600000xf32, #tpu.memory_space<hbm>> -> memref<10000xf32, #tpu.memory_space<hbm>>
    tpu.wait_dma2 semaphore(%arg15 : memref<!tpu.dma_semaphore, #tpu.memory_space<semaphore_mem>>) src(%dma_wait3A_310 : memref<10000xf32, #tpu.memory_space<hbm>>) dst(%arg7 : memref<10000xf32, #tpu.memory_space<vmem>>)
    %dma_wait3A_311 = tpu.memref_slice %arg3[%add3A_291] : memref<1600000xi32, #tpu.memory_space<hbm>> -> memref<10000xi32, #tpu.memory_space<hbm>>
    %dma_wait3A_312 = tpu.memref_slice %arg3[%add3A_291] : memref<1600000xi32, #tpu.memory_space<hbm>> -> memref<10000xi32, #tpu.memory_space<hbm>>
    tpu.wait_dma2 semaphore(%arg15 : memref<!tpu.dma_semaphore, #tpu.memory_space<semaphore_mem>>) src(%dma_wait3A_312 : memref<10000xi32, #tpu.memory_space<hbm>>) dst(%arg9 : memref<10000xi32, #tpu.memory_space<vmem>>)
    %parallel_loop3A_313 = arith.constant 0 : i32
    %parallel_loop3A_314 = arith.constant 625 : i32
    %parallel_loop3A_315 = arith.constant 1 : i32
    scf.for %parallel_loop3A_805 = %parallel_loop3A_313 to %parallel_loop3A_314 step %parallel_loop3A_315  : i32 {
      %parallel_loop3A_806 = arith.constant 16 : i32
      %parallel_loop3A_807 = arith.muli %parallel_loop3A_805, %parallel_loop3A_806 : i32
      %parallel_loop3A_808 = arith.index_cast %parallel_loop3A_807 : i32 to index
      %parallel_loop3A_809 = tpu.vector_load %arg9[%parallel_loop3A_808] {strides = array<i32>} : memref<10000xi32, #tpu.memory_space<vmem>>, vector<16xi32>,
      %parallel_loop3A_810 = arith.index_cast %parallel_loop3A_807 : i32 to index
      %parallel_loop3A_811 = tpu.vector_load %arg7[%parallel_loop3A_810] {strides = array<i32>} : memref<10000xf32, #tpu.memory_space<vmem>>, vector<16xf32>,
      %parallel_loop3A_812 = arith.constant 16 : i32
      %parallel_loop3A_813 = vector.broadcast %parallel_loop3A_812 : i32 to vector<16xi32>
      %parallel_loop3A_814 = arith.muli %parallel_loop3A_809, %parallel_loop3A_813 : vector<16xi32>
      %parallel_loop3A_815 = arith.addi %parallel_loop3A_814, %iota3A : vector<16xi32>
      tpu.vector_store_idx %arg10[%parallel_loop3A_815], %parallel_loop3A_811 {add = true} : memref<1024xf32, #tpu.memory_space<vmem>>[vector<16xi32>], vector<16xf32>,
      tpu.vector_store_idx %arg11[%parallel_loop3A_815], %broadcast_in_dim3A_260 {add = true} : memref<1024xf32, #tpu.memory_space<vmem>>[vector<16xi32>], vector<16xf32>,
    } {sc.loop_unroll_factor = 8 : i64, sc.parallel_access}
    %dma_wait3A_316 = tpu.memref_slice %arg2[%add3A_304] : memref<1600000xf32, #tpu.memory_space<hbm>> -> memref<10000xf32, #tpu.memory_space<hbm>>
    %dma_wait3A_317 = tpu.memref_slice %arg2[%add3A_304] : memref<1600000xf32, #tpu.memory_space<hbm>> -> memref<10000xf32, #tpu.memory_space<hbm>>
    tpu.wait_dma2 semaphore(%arg14 : memref<!tpu.dma_semaphore, #tpu.memory_space<semaphore_mem>>) src(%dma_wait3A_317 : memref<10000xf32, #tpu.memory_space<hbm>>) dst(%arg6 : memref<10000xf32, #tpu.memory_space<vmem>>)
    %dma_wait3A_318 = tpu.memref_slice %arg3[%add3A_304] : memref<1600000xi32, #tpu.memory_space<hbm>> -> memref<10000xi32, #tpu.memory_space<hbm>>
    %dma_wait3A_319 = tpu.memref_slice %arg3[%add3A_304] : memref<1600000xi32, #tpu.memory_space<hbm>> -> memref<10000xi32, #tpu.memory_space<hbm>>
    tpu.wait_dma2 semaphore(%arg14 : memref<!tpu.dma_semaphore, #tpu.memory_space<semaphore_mem>>) src(%dma_wait3A_319 : memref<10000xi32, #tpu.memory_space<hbm>>) dst(%arg8 : memref<10000xi32, #tpu.memory_space<vmem>>)
    %parallel_loop3A_320 = arith.constant 0 : i32
    %parallel_loop3A_321 = arith.constant 625 : i32
    %parallel_loop3A_322 = arith.constant 1 : i32
    scf.for %parallel_loop3A_805 = %parallel_loop3A_320 to %parallel_loop3A_321 step %parallel_loop3A_322  : i32 {
      %parallel_loop3A_806 = arith.constant 16 : i32
      %parallel_loop3A_807 = arith.muli %parallel_loop3A_805, %parallel_loop3A_806 : i32
      %parallel_loop3A_808 = arith.index_cast %parallel_loop3A_807 : i32 to index
      %parallel_loop3A_809 = tpu.vector_load %arg8[%parallel_loop3A_808] {strides = array<i32>} : memref<10000xi32, #tpu.memory_space<vmem>>, vector<16xi32>,
      %parallel_loop3A_810 = arith.index_cast %parallel_loop3A_807 : i32 to index
      %parallel_loop3A_811 = tpu.vector_load %arg6[%parallel_loop3A_810] {strides = array<i32>} : memref<10000xf32, #tpu.memory_space<vmem>>, vector<16xf32>,
      %parallel_loop3A_812 = arith.constant 16 : i32
      %parallel_loop3A_813 = vector.broadcast %parallel_loop3A_812 : i32 to vector<16xi32>
      %parallel_loop3A_814 = arith.muli %parallel_loop3A_809, %parallel_loop3A_813 : vector<16xi32>
      %parallel_loop3A_815 = arith.addi %parallel_loop3A_814, %iota3A : vector<16xi32>
      tpu.vector_store_idx %arg10[%parallel_loop3A_815], %parallel_loop3A_811 {add = true} : memref<1024xf32, #tpu.memory_space<vmem>>[vector<16xi32>], vector<16xf32>,
      tpu.vector_store_idx %arg11[%parallel_loop3A_815], %broadcast_in_dim3A_260 {add = true} : memref<1024xf32, #tpu.memory_space<vmem>>[vector<16xi32>], vector<16xf32>,
    } {sc.loop_unroll_factor = 8 : i64, sc.parallel_access}
    %mul3A_323 = arith.constant 16 : i32
    %mul3A_324 = vector.broadcast %mul3A_323 : i32 to vector<16xi32>
    %mul3A_325 = arith.muli %iota3A, %mul3A_324 : vector<16xi32>
    %broadcast_in_dim3A_326 = arith.constant 0.000000e+00 : f32
    %broadcast_in_dim3A_327 = vector.broadcast %broadcast_in_dim3A_326 : f32 to vector<16xf32>
    %broadcast_in_dim3A_328 = arith.constant 0.000000e+00 : f32
    %broadcast_in_dim3A_329 = vector.broadcast %broadcast_in_dim3A_328 : f32 to vector<16xf32>
    %add3A_330 = arith.constant 0 : i32
    %add3A_331 = vector.broadcast %add3A_330 : i32 to vector<16xi32>
    %add3A_332 = arith.addi %mul3A_325, %add3A_331 : vector<16xi32>
    %gather3A = tpu.vector_load_idx %arg10[%add3A_332] : memref<1024xf32, #tpu.memory_space<vmem>>[vector<16xi32>], vector<16xf32>,
    %add3A_333 = arith.addf %broadcast_in_dim3A_327, %gather3A : vector<16xf32>
    %gather3A_334 = tpu.vector_load_idx %arg11[%add3A_332] : memref<1024xf32, #tpu.memory_space<vmem>>[vector<16xi32>], vector<16xf32>,
    %add3A_335 = arith.addf %broadcast_in_dim3A_329, %gather3A_334 : vector<16xf32>
    %add3A_336 = arith.constant 1 : i32
    %add3A_337 = vector.broadcast %add3A_336 : i32 to vector<16xi32>
    %add3A_338 = arith.addi %mul3A_325, %add3A_337 : vector<16xi32>
    %gather3A_339 = tpu.vector_load_idx %arg10[%add3A_338] : memref<1024xf32, #tpu.memory_space<vmem>>[vector<16xi32>], vector<16xf32>,
    %add3A_340 = arith.addf %add3A_333, %gather3A_339 : vector<16xf32>
    %gather3A_341 = tpu.vector_load_idx %arg11[%add3A_338] : memref<1024xf32, #tpu.memory_space<vmem>>[vector<16xi32>], vector<16xf32>,
    %add3A_342 = arith.addf %add3A_335, %gather3A_341 : vector<16xf32>
    %add3A_343 = arith.constant 2 : i32
    %add3A_344 = vector.broadcast %add3A_343 : i32 to vector<16xi32>
    %add3A_345 = arith.addi %mul3A_325, %add3A_344 : vector<16xi32>
    %gather3A_346 = tpu.vector_load_idx %arg10[%add3A_345] : memref<1024xf32, #tpu.memory_space<vmem>>[vector<16xi32>], vector<16xf32>,
    %add3A_347 = arith.addf %add3A_340, %gather3A_346 : vector<16xf32>
    %gather3A_348 = tpu.vector_load_idx %arg11[%add3A_345] : memref<1024xf32, #tpu.memory_space<vmem>>[vector<16xi32>], vector<16xf32>,
    %add3A_349 = arith.addf %add3A_342, %gather3A_348 : vector<16xf32>
    %add3A_350 = arith.constant 3 : i32
    %add3A_351 = vector.broadcast %add3A_350 : i32 to vector<16xi32>
    %add3A_352 = arith.addi %mul3A_325, %add3A_351 : vector<16xi32>
    %gather3A_353 = tpu.vector_load_idx %arg10[%add3A_352] : memref<1024xf32, #tpu.memory_space<vmem>>[vector<16xi32>], vector<16xf32>,
    %add3A_354 = arith.addf %add3A_347, %gather3A_353 : vector<16xf32>
    %gather3A_355 = tpu.vector_load_idx %arg11[%add3A_352] : memref<1024xf32, #tpu.memory_space<vmem>>[vector<16xi32>], vector<16xf32>,
    %add3A_356 = arith.addf %add3A_349, %gather3A_355 : vector<16xf32>
    %add3A_357 = arith.constant 4 : i32
    %add3A_358 = vector.broadcast %add3A_357 : i32 to vector<16xi32>
    %add3A_359 = arith.addi %mul3A_325, %add3A_358 : vector<16xi32>
    %gather3A_360 = tpu.vector_load_idx %arg10[%add3A_359] : memref<1024xf32, #tpu.memory_space<vmem>>[vector<16xi32>], vector<16xf32>,
    %add3A_361 = arith.addf %add3A_354, %gather3A_360 : vector<16xf32>
    %gather3A_362 = tpu.vector_load_idx %arg11[%add3A_359] : memref<1024xf32, #tpu.memory_space<vmem>>[vector<16xi32>], vector<16xf32>,
    %add3A_363 = arith.addf %add3A_356, %gather3A_362 : vector<16xf32>
    %add3A_364 = arith.constant 5 : i32
    %add3A_365 = vector.broadcast %add3A_364 : i32 to vector<16xi32>
    %add3A_366 = arith.addi %mul3A_325, %add3A_365 : vector<16xi32>
    %gather3A_367 = tpu.vector_load_idx %arg10[%add3A_366] : memref<1024xf32, #tpu.memory_space<vmem>>[vector<16xi32>], vector<16xf32>,
    %add3A_368 = arith.addf %add3A_361, %gather3A_367 : vector<16xf32>
    %gather3A_369 = tpu.vector_load_idx %arg11[%add3A_366] : memref<1024xf32, #tpu.memory_space<vmem>>[vector<16xi32>], vector<16xf32>,
    %add3A_370 = arith.addf %add3A_363, %gather3A_369 : vector<16xf32>
    %add3A_371 = arith.constant 6 : i32
    %add3A_372 = vector.broadcast %add3A_371 : i32 to vector<16xi32>
    %add3A_373 = arith.addi %mul3A_325, %add3A_372 : vector<16xi32>
    %gather3A_374 = tpu.vector_load_idx %arg10[%add3A_373] : memref<1024xf32, #tpu.memory_space<vmem>>[vector<16xi32>], vector<16xf32>,
    %add3A_375 = arith.addf %add3A_368, %gather3A_374 : vector<16xf32>
    %gather3A_376 = tpu.vector_load_idx %arg11[%add3A_373] : memref<1024xf32, #tpu.memory_space<vmem>>[vector<16xi32>], vector<16xf32>,
    %add3A_377 = arith.addf %add3A_370, %gather3A_376 : vector<16xf32>
    %add3A_378 = arith.constant 7 : i32
    %add3A_379 = vector.broadcast %add3A_378 : i32 to vector<16xi32>
    %add3A_380 = arith.addi %mul3A_325, %add3A_379 : vector<16xi32>
    %gather3A_381 = tpu.vector_load_idx %arg10[%add3A_380] : memref<1024xf32, #tpu.memory_space<vmem>>[vector<16xi32>], vector<16xf32>,
    %add3A_382 = arith.addf %add3A_375, %gather3A_381 : vector<16xf32>
    %gather3A_383 = tpu.vector_load_idx %arg11[%add3A_380] : memref<1024xf32, #tpu.memory_space<vmem>>[vector<16xi32>], vector<16xf32>,
    %add3A_384 = arith.addf %add3A_377, %gather3A_383 : vector<16xf32>
    %add3A_385 = arith.constant 8 : i32
    %add3A_386 = vector.broadcast %add3A_385 : i32 to vector<16xi32>
    %add3A_387 = arith.addi %mul3A_325, %add3A_386 : vector<16xi32>
    %gather3A_388 = tpu.vector_load_idx %arg10[%add3A_387] : memref<1024xf32, #tpu.memory_space<vmem>>[vector<16xi32>], vector<16xf32>,
    %add3A_389 = arith.addf %add3A_382, %gather3A_388 : vector<16xf32>
    %gather3A_390 = tpu.vector_load_idx %arg11[%add3A_387] : memref<1024xf32, #tpu.memory_space<vmem>>[vector<16xi32>], vector<16xf32>,
    %add3A_391 = arith.addf %add3A_384, %gather3A_390 : vector<16xf32>
    %add3A_392 = arith.constant 9 : i32
    %add3A_393 = vector.broadcast %add3A_392 : i32 to vector<16xi32>
    %add3A_394 = arith.addi %mul3A_325, %add3A_393 : vector<16xi32>
    %gather3A_395 = tpu.vector_load_idx %arg10[%add3A_394] : memref<1024xf32, #tpu.memory_space<vmem>>[vector<16xi32>], vector<16xf32>,
    %add3A_396 = arith.addf %add3A_389, %gather3A_395 : vector<16xf32>
    %gather3A_397 = tpu.vector_load_idx %arg11[%add3A_394] : memref<1024xf32, #tpu.memory_space<vmem>>[vector<16xi32>], vector<16xf32>,
    %add3A_398 = arith.addf %add3A_391, %gather3A_397 : vector<16xf32>
    %add3A_399 = arith.constant 10 : i32
    %add3A_400 = vector.broadcast %add3A_399 : i32 to vector<16xi32>
    %add3A_401 = arith.addi %mul3A_325, %add3A_400 : vector<16xi32>
    %gather3A_402 = tpu.vector_load_idx %arg10[%add3A_401] : memref<1024xf32, #tpu.memory_space<vmem>>[vector<16xi32>], vector<16xf32>,
    %add3A_403 = arith.addf %add3A_396, %gather3A_402 : vector<16xf32>
    %gather3A_404 = tpu.vector_load_idx %arg11[%add3A_401] : memref<1024xf32, #tpu.memory_space<vmem>>[vector<16xi32>], vector<16xf32>,
    %add3A_405 = arith.addf %add3A_398, %gather3A_404 : vector<16xf32>
    %add3A_406 = arith.constant 11 : i32
    %add3A_407 = vector.broadcast %add3A_406 : i32 to vector<16xi32>
    %add3A_408 = arith.addi %mul3A_325, %add3A_407 : vector<16xi32>
    %gather3A_409 = tpu.vector_load_idx %arg10[%add3A_408] : memref<1024xf32, #tpu.memory_space<vmem>>[vector<16xi32>], vector<16xf32>,
    %add3A_410 = arith.addf %add3A_403, %gather3A_409 : vector<16xf32>
    %gather3A_411 = tpu.vector_load_idx %arg11[%add3A_408] : memref<1024xf32, #tpu.memory_space<vmem>>[vector<16xi32>], vector<16xf32>,
    %add3A_412 = arith.addf %add3A_405, %gather3A_411 : vector<16xf32>
    %add3A_413 = arith.constant 12 : i32
    %add3A_414 = vector.broadcast %add3A_413 : i32 to vector<16xi32>
    %add3A_415 = arith.addi %mul3A_325, %add3A_414 : vector<16xi32>
    %gather3A_416 = tpu.vector_load_idx %arg10[%add3A_415] : memref<1024xf32, #tpu.memory_space<vmem>>[vector<16xi32>], vector<16xf32>,
    %add3A_417 = arith.addf %add3A_410, %gather3A_416 : vector<16xf32>
    %gather3A_418 = tpu.vector_load_idx %arg11[%add3A_415] : memref<1024xf32, #tpu.memory_space<vmem>>[vector<16xi32>], vector<16xf32>,
    %add3A_419 = arith.addf %add3A_412, %gather3A_418 : vector<16xf32>
    %add3A_420 = arith.constant 13 : i32
    %add3A_421 = vector.broadcast %add3A_420 : i32 to vector<16xi32>
    %add3A_422 = arith.addi %mul3A_325, %add3A_421 : vector<16xi32>
    %gather3A_423 = tpu.vector_load_idx %arg10[%add3A_422] : memref<1024xf32, #tpu.memory_space<vmem>>[vector<16xi32>], vector<16xf32>,
    %add3A_424 = arith.addf %add3A_417, %gather3A_423 : vector<16xf32>
    %gather3A_425 = tpu.vector_load_idx %arg11[%add3A_422] : memref<1024xf32, #tpu.memory_space<vmem>>[vector<16xi32>], vector<16xf32>,
    %add3A_426 = arith.addf %add3A_419, %gather3A_425 : vector<16xf32>
    %add3A_427 = arith.constant 14 : i32
    %add3A_428 = vector.broadcast %add3A_427 : i32 to vector<16xi32>
    %add3A_429 = arith.addi %mul3A_325, %add3A_428 : vector<16xi32>
    %gather3A_430 = tpu.vector_load_idx %arg10[%add3A_429] : memref<1024xf32, #tpu.memory_space<vmem>>[vector<16xi32>], vector<16xf32>,
    %add3A_431 = arith.addf %add3A_424, %gather3A_430 : vector<16xf32>
    %gather3A_432 = tpu.vector_load_idx %arg11[%add3A_429] : memref<1024xf32, #tpu.memory_space<vmem>>[vector<16xi32>], vector<16xf32>,
    %add3A_433 = arith.addf %add3A_426, %gather3A_432 : vector<16xf32>
    %add3A_434 = arith.constant 15 : i32
    %add3A_435 = vector.broadcast %add3A_434 : i32 to vector<16xi32>
    %add3A_436 = arith.addi %mul3A_325, %add3A_435 : vector<16xi32>
    %gather3A_437 = tpu.vector_load_idx %arg10[%add3A_436] : memref<1024xf32, #tpu.memory_space<vmem>>[vector<16xi32>], vector<16xf32>,
    %add3A_438 = arith.addf %add3A_431, %gather3A_437 : vector<16xf32>
    %gather3A_439 = tpu.vector_load_idx %arg11[%add3A_436] : memref<1024xf32, #tpu.memory_space<vmem>>[vector<16xi32>], vector<16xf32>,
    %add3A_440 = arith.addf %add3A_433, %gather3A_439 : vector<16xf32>
    %swap3A_441 = arith.constant 0 : index
    %swap3A_442 = tpu.vector_load %arg12[%swap3A_441] {strides = array<i32>} : memref<64xf32, #tpu.memory_space<vmem>>, vector<16xf32>,
    tpu.vector_store %arg12[%swap3A_441], %add3A_438 {strides = array<i32>} : memref<64xf32, #tpu.memory_space<vmem>>, vector<16xf32>,
    %swap3A_443 = arith.constant 0 : index
    %swap3A_444 = tpu.vector_load %arg13[%swap3A_443] {strides = array<i32>} : memref<64xf32, #tpu.memory_space<vmem>>, vector<16xf32>,
    tpu.vector_store %arg13[%swap3A_443], %add3A_440 {strides = array<i32>} : memref<64xf32, #tpu.memory_space<vmem>>, vector<16xf32>,
    %broadcast_in_dim3A_445 = arith.constant 0.000000e+00 : f32
    %broadcast_in_dim3A_446 = vector.broadcast %broadcast_in_dim3A_445 : f32 to vector<16xf32>
    %broadcast_in_dim3A_447 = arith.constant 0.000000e+00 : f32
    %broadcast_in_dim3A_448 = vector.broadcast %broadcast_in_dim3A_447 : f32 to vector<16xf32>
    %add3A_449 = arith.constant 256 : i32
    %add3A_450 = vector.broadcast %add3A_449 : i32 to vector<16xi32>
    %add3A_451 = arith.addi %mul3A_325, %add3A_450 : vector<16xi32>
    %gather3A_452 = tpu.vector_load_idx %arg10[%add3A_451] : memref<1024xf32, #tpu.memory_space<vmem>>[vector<16xi32>], vector<16xf32>,
    %add3A_453 = arith.addf %broadcast_in_dim3A_446, %gather3A_452 : vector<16xf32>
    %gather3A_454 = tpu.vector_load_idx %arg11[%add3A_451] : memref<1024xf32, #tpu.memory_space<vmem>>[vector<16xi32>], vector<16xf32>,
    %add3A_455 = arith.addf %broadcast_in_dim3A_448, %gather3A_454 : vector<16xf32>
    %add3A_456 = arith.constant 257 : i32
    %add3A_457 = vector.broadcast %add3A_456 : i32 to vector<16xi32>
    %add3A_458 = arith.addi %mul3A_325, %add3A_457 : vector<16xi32>
    %gather3A_459 = tpu.vector_load_idx %arg10[%add3A_458] : memref<1024xf32, #tpu.memory_space<vmem>>[vector<16xi32>], vector<16xf32>,
    %add3A_460 = arith.addf %add3A_453, %gather3A_459 : vector<16xf32>
    %gather3A_461 = tpu.vector_load_idx %arg11[%add3A_458] : memref<1024xf32, #tpu.memory_space<vmem>>[vector<16xi32>], vector<16xf32>,
    %add3A_462 = arith.addf %add3A_455, %gather3A_461 : vector<16xf32>
    %add3A_463 = arith.constant 258 : i32
    %add3A_464 = vector.broadcast %add3A_463 : i32 to vector<16xi32>
    %add3A_465 = arith.addi %mul3A_325, %add3A_464 : vector<16xi32>
    %gather3A_466 = tpu.vector_load_idx %arg10[%add3A_465] : memref<1024xf32, #tpu.memory_space<vmem>>[vector<16xi32>], vector<16xf32>,
    %add3A_467 = arith.addf %add3A_460, %gather3A_466 : vector<16xf32>
    %gather3A_468 = tpu.vector_load_idx %arg11[%add3A_465] : memref<1024xf32, #tpu.memory_space<vmem>>[vector<16xi32>], vector<16xf32>,
    %add3A_469 = arith.addf %add3A_462, %gather3A_468 : vector<16xf32>
    %add3A_470 = arith.constant 259 : i32
    %add3A_471 = vector.broadcast %add3A_470 : i32 to vector<16xi32>
    %add3A_472 = arith.addi %mul3A_325, %add3A_471 : vector<16xi32>
    %gather3A_473 = tpu.vector_load_idx %arg10[%add3A_472] : memref<1024xf32, #tpu.memory_space<vmem>>[vector<16xi32>], vector<16xf32>,
    %add3A_474 = arith.addf %add3A_467, %gather3A_473 : vector<16xf32>
    %gather3A_475 = tpu.vector_load_idx %arg11[%add3A_472] : memref<1024xf32, #tpu.memory_space<vmem>>[vector<16xi32>], vector<16xf32>,
    %add3A_476 = arith.addf %add3A_469, %gather3A_475 : vector<16xf32>
    %add3A_477 = arith.constant 260 : i32
    %add3A_478 = vector.broadcast %add3A_477 : i32 to vector<16xi32>
    %add3A_479 = arith.addi %mul3A_325, %add3A_478 : vector<16xi32>
    %gather3A_480 = tpu.vector_load_idx %arg10[%add3A_479] : memref<1024xf32, #tpu.memory_space<vmem>>[vector<16xi32>], vector<16xf32>,
    %add3A_481 = arith.addf %add3A_474, %gather3A_480 : vector<16xf32>
    %gather3A_482 = tpu.vector_load_idx %arg11[%add3A_479] : memref<1024xf32, #tpu.memory_space<vmem>>[vector<16xi32>], vector<16xf32>,
    %add3A_483 = arith.addf %add3A_476, %gather3A_482 : vector<16xf32>
    %add3A_484 = arith.constant 261 : i32
    %add3A_485 = vector.broadcast %add3A_484 : i32 to vector<16xi32>
    %add3A_486 = arith.addi %mul3A_325, %add3A_485 : vector<16xi32>
    %gather3A_487 = tpu.vector_load_idx %arg10[%add3A_486] : memref<1024xf32, #tpu.memory_space<vmem>>[vector<16xi32>], vector<16xf32>,
    %add3A_488 = arith.addf %add3A_481, %gather3A_487 : vector<16xf32>
    %gather3A_489 = tpu.vector_load_idx %arg11[%add3A_486] : memref<1024xf32, #tpu.memory_space<vmem>>[vector<16xi32>], vector<16xf32>,
    %add3A_490 = arith.addf %add3A_483, %gather3A_489 : vector<16xf32>
    %add3A_491 = arith.constant 262 : i32
    %add3A_492 = vector.broadcast %add3A_491 : i32 to vector<16xi32>
    %add3A_493 = arith.addi %mul3A_325, %add3A_492 : vector<16xi32>
    %gather3A_494 = tpu.vector_load_idx %arg10[%add3A_493] : memref<1024xf32, #tpu.memory_space<vmem>>[vector<16xi32>], vector<16xf32>,
    %add3A_495 = arith.addf %add3A_488, %gather3A_494 : vector<16xf32>
    %gather3A_496 = tpu.vector_load_idx %arg11[%add3A_493] : memref<1024xf32, #tpu.memory_space<vmem>>[vector<16xi32>], vector<16xf32>,
    %add3A_497 = arith.addf %add3A_490, %gather3A_496 : vector<16xf32>
    %add3A_498 = arith.constant 263 : i32
    %add3A_499 = vector.broadcast %add3A_498 : i32 to vector<16xi32>
    %add3A_500 = arith.addi %mul3A_325, %add3A_499 : vector<16xi32>
    %gather3A_501 = tpu.vector_load_idx %arg10[%add3A_500] : memref<1024xf32, #tpu.memory_space<vmem>>[vector<16xi32>], vector<16xf32>,
    %add3A_502 = arith.addf %add3A_495, %gather3A_501 : vector<16xf32>
    %gather3A_503 = tpu.vector_load_idx %arg11[%add3A_500] : memref<1024xf32, #tpu.memory_space<vmem>>[vector<16xi32>], vector<16xf32>,
    %add3A_504 = arith.addf %add3A_497, %gather3A_503 : vector<16xf32>
    %add3A_505 = arith.constant 264 : i32
    %add3A_506 = vector.broadcast %add3A_505 : i32 to vector<16xi32>
    %add3A_507 = arith.addi %mul3A_325, %add3A_506 : vector<16xi32>
    %gather3A_508 = tpu.vector_load_idx %arg10[%add3A_507] : memref<1024xf32, #tpu.memory_space<vmem>>[vector<16xi32>], vector<16xf32>,
    %add3A_509 = arith.addf %add3A_502, %gather3A_508 : vector<16xf32>
    %gather3A_510 = tpu.vector_load_idx %arg11[%add3A_507] : memref<1024xf32, #tpu.memory_space<vmem>>[vector<16xi32>], vector<16xf32>,
    %add3A_511 = arith.addf %add3A_504, %gather3A_510 : vector<16xf32>
    %add3A_512 = arith.constant 265 : i32
    %add3A_513 = vector.broadcast %add3A_512 : i32 to vector<16xi32>
    %add3A_514 = arith.addi %mul3A_325, %add3A_513 : vector<16xi32>
    %gather3A_515 = tpu.vector_load_idx %arg10[%add3A_514] : memref<1024xf32, #tpu.memory_space<vmem>>[vector<16xi32>], vector<16xf32>,
    %add3A_516 = arith.addf %add3A_509, %gather3A_515 : vector<16xf32>
    %gather3A_517 = tpu.vector_load_idx %arg11[%add3A_514] : memref<1024xf32, #tpu.memory_space<vmem>>[vector<16xi32>], vector<16xf32>,
    %add3A_518 = arith.addf %add3A_511, %gather3A_517 : vector<16xf32>
    %add3A_519 = arith.constant 266 : i32
    %add3A_520 = vector.broadcast %add3A_519 : i32 to vector<16xi32>
    %add3A_521 = arith.addi %mul3A_325, %add3A_520 : vector<16xi32>
    %gather3A_522 = tpu.vector_load_idx %arg10[%add3A_521] : memref<1024xf32, #tpu.memory_space<vmem>>[vector<16xi32>], vector<16xf32>,
    %add3A_523 = arith.addf %add3A_516, %gather3A_522 : vector<16xf32>
    %gather3A_524 = tpu.vector_load_idx %arg11[%add3A_521] : memref<1024xf32, #tpu.memory_space<vmem>>[vector<16xi32>], vector<16xf32>,
    %add3A_525 = arith.addf %add3A_518, %gather3A_524 : vector<16xf32>
    %add3A_526 = arith.constant 267 : i32
    %add3A_527 = vector.broadcast %add3A_526 : i32 to vector<16xi32>
    %add3A_528 = arith.addi %mul3A_325, %add3A_527 : vector<16xi32>
    %gather3A_529 = tpu.vector_load_idx %arg10[%add3A_528] : memref<1024xf32, #tpu.memory_space<vmem>>[vector<16xi32>], vector<16xf32>,
    %add3A_530 = arith.addf %add3A_523, %gather3A_529 : vector<16xf32>
    %gather3A_531 = tpu.vector_load_idx %arg11[%add3A_528] : memref<1024xf32, #tpu.memory_space<vmem>>[vector<16xi32>], vector<16xf32>,
    %add3A_532 = arith.addf %add3A_525, %gather3A_531 : vector<16xf32>
    %add3A_533 = arith.constant 268 : i32
    %add3A_534 = vector.broadcast %add3A_533 : i32 to vector<16xi32>
    %add3A_535 = arith.addi %mul3A_325, %add3A_534 : vector<16xi32>
    %gather3A_536 = tpu.vector_load_idx %arg10[%add3A_535] : memref<1024xf32, #tpu.memory_space<vmem>>[vector<16xi32>], vector<16xf32>,
    %add3A_537 = arith.addf %add3A_530, %gather3A_536 : vector<16xf32>
    %gather3A_538 = tpu.vector_load_idx %arg11[%add3A_535] : memref<1024xf32, #tpu.memory_space<vmem>>[vector<16xi32>], vector<16xf32>,
    %add3A_539 = arith.addf %add3A_532, %gather3A_538 : vector<16xf32>
    %add3A_540 = arith.constant 269 : i32
    %add3A_541 = vector.broadcast %add3A_540 : i32 to vector<16xi32>
    %add3A_542 = arith.addi %mul3A_325, %add3A_541 : vector<16xi32>
    %gather3A_543 = tpu.vector_load_idx %arg10[%add3A_542] : memref<1024xf32, #tpu.memory_space<vmem>>[vector<16xi32>], vector<16xf32>,
    %add3A_544 = arith.addf %add3A_537, %gather3A_543 : vector<16xf32>
    %gather3A_545 = tpu.vector_load_idx %arg11[%add3A_542] : memref<1024xf32, #tpu.memory_space<vmem>>[vector<16xi32>], vector<16xf32>,
    %add3A_546 = arith.addf %add3A_539, %gather3A_545 : vector<16xf32>
    %add3A_547 = arith.constant 270 : i32
    %add3A_548 = vector.broadcast %add3A_547 : i32 to vector<16xi32>
    %add3A_549 = arith.addi %mul3A_325, %add3A_548 : vector<16xi32>
    %gather3A_550 = tpu.vector_load_idx %arg10[%add3A_549] : memref<1024xf32, #tpu.memory_space<vmem>>[vector<16xi32>], vector<16xf32>,
    %add3A_551 = arith.addf %add3A_544, %gather3A_550 : vector<16xf32>
    %gather3A_552 = tpu.vector_load_idx %arg11[%add3A_549] : memref<1024xf32, #tpu.memory_space<vmem>>[vector<16xi32>], vector<16xf32>,
    %add3A_553 = arith.addf %add3A_546, %gather3A_552 : vector<16xf32>
    %add3A_554 = arith.constant 271 : i32
    %add3A_555 = vector.broadcast %add3A_554 : i32 to vector<16xi32>
    %add3A_556 = arith.addi %mul3A_325, %add3A_555 : vector<16xi32>
    %gather3A_557 = tpu.vector_load_idx %arg10[%add3A_556] : memref<1024xf32, #tpu.memory_space<vmem>>[vector<16xi32>], vector<16xf32>,
    %add3A_558 = arith.addf %add3A_551, %gather3A_557 : vector<16xf32>
    %gather3A_559 = tpu.vector_load_idx %arg11[%add3A_556] : memref<1024xf32, #tpu.memory_space<vmem>>[vector<16xi32>], vector<16xf32>,
    %add3A_560 = arith.addf %add3A_553, %gather3A_559 : vector<16xf32>
    %swap3A_561 = arith.constant 16 : index
    %swap3A_562 = tpu.vector_load %arg12[%swap3A_561] {strides = array<i32>} : memref<64xf32, #tpu.memory_space<vmem>>, vector<16xf32>,
    tpu.vector_store %arg12[%swap3A_561], %add3A_558 {strides = array<i32>} : memref<64xf32, #tpu.memory_space<vmem>>, vector<16xf32>,
    %swap3A_563 = arith.constant 16 : index
    %swap3A_564 = tpu.vector_load %arg13[%swap3A_563] {strides = array<i32>} : memref<64xf32, #tpu.memory_space<vmem>>, vector<16xf32>,
    tpu.vector_store %arg13[%swap3A_563], %add3A_560 {strides = array<i32>} : memref<64xf32, #tpu.memory_space<vmem>>, vector<16xf32>,
    %broadcast_in_dim3A_565 = arith.constant 0.000000e+00 : f32
    %broadcast_in_dim3A_566 = vector.broadcast %broadcast_in_dim3A_565 : f32 to vector<16xf32>
    %broadcast_in_dim3A_567 = arith.constant 0.000000e+00 : f32
    %broadcast_in_dim3A_568 = vector.broadcast %broadcast_in_dim3A_567 : f32 to vector<16xf32>
    %add3A_569 = arith.constant 512 : i32
    %add3A_570 = vector.broadcast %add3A_569 : i32 to vector<16xi32>
    %add3A_571 = arith.addi %mul3A_325, %add3A_570 : vector<16xi32>
    %gather3A_572 = tpu.vector_load_idx %arg10[%add3A_571] : memref<1024xf32, #tpu.memory_space<vmem>>[vector<16xi32>], vector<16xf32>,
    %add3A_573 = arith.addf %broadcast_in_dim3A_566, %gather3A_572 : vector<16xf32>
    %gather3A_574 = tpu.vector_load_idx %arg11[%add3A_571] : memref<1024xf32, #tpu.memory_space<vmem>>[vector<16xi32>], vector<16xf32>,
    %add3A_575 = arith.addf %broadcast_in_dim3A_568, %gather3A_574 : vector<16xf32>
    %add3A_576 = arith.constant 513 : i32
    %add3A_577 = vector.broadcast %add3A_576 : i32 to vector<16xi32>
    %add3A_578 = arith.addi %mul3A_325, %add3A_577 : vector<16xi32>
    %gather3A_579 = tpu.vector_load_idx %arg10[%add3A_578] : memref<1024xf32, #tpu.memory_space<vmem>>[vector<16xi32>], vector<16xf32>,
    %add3A_580 = arith.addf %add3A_573, %gather3A_579 : vector<16xf32>
    %gather3A_581 = tpu.vector_load_idx %arg11[%add3A_578] : memref<1024xf32, #tpu.memory_space<vmem>>[vector<16xi32>], vector<16xf32>,
    %add3A_582 = arith.addf %add3A_575, %gather3A_581 : vector<16xf32>
    %add3A_583 = arith.constant 514 : i32
    %add3A_584 = vector.broadcast %add3A_583 : i32 to vector<16xi32>
    %add3A_585 = arith.addi %mul3A_325, %add3A_584 : vector<16xi32>
    %gather3A_586 = tpu.vector_load_idx %arg10[%add3A_585] : memref<1024xf32, #tpu.memory_space<vmem>>[vector<16xi32>], vector<16xf32>,
    %add3A_587 = arith.addf %add3A_580, %gather3A_586 : vector<16xf32>
    %gather3A_588 = tpu.vector_load_idx %arg11[%add3A_585] : memref<1024xf32, #tpu.memory_space<vmem>>[vector<16xi32>], vector<16xf32>,
    %add3A_589 = arith.addf %add3A_582, %gather3A_588 : vector<16xf32>
    %add3A_590 = arith.constant 515 : i32
    %add3A_591 = vector.broadcast %add3A_590 : i32 to vector<16xi32>
    %add3A_592 = arith.addi %mul3A_325, %add3A_591 : vector<16xi32>
    %gather3A_593 = tpu.vector_load_idx %arg10[%add3A_592] : memref<1024xf32, #tpu.memory_space<vmem>>[vector<16xi32>], vector<16xf32>,
    %add3A_594 = arith.addf %add3A_587, %gather3A_593 : vector<16xf32>
    %gather3A_595 = tpu.vector_load_idx %arg11[%add3A_592] : memref<1024xf32, #tpu.memory_space<vmem>>[vector<16xi32>], vector<16xf32>,
    %add3A_596 = arith.addf %add3A_589, %gather3A_595 : vector<16xf32>
    %add3A_597 = arith.constant 516 : i32
    %add3A_598 = vector.broadcast %add3A_597 : i32 to vector<16xi32>
    %add3A_599 = arith.addi %mul3A_325, %add3A_598 : vector<16xi32>
    %gather3A_600 = tpu.vector_load_idx %arg10[%add3A_599] : memref<1024xf32, #tpu.memory_space<vmem>>[vector<16xi32>], vector<16xf32>,
    %add3A_601 = arith.addf %add3A_594, %gather3A_600 : vector<16xf32>
    %gather3A_602 = tpu.vector_load_idx %arg11[%add3A_599] : memref<1024xf32, #tpu.memory_space<vmem>>[vector<16xi32>], vector<16xf32>,
    %add3A_603 = arith.addf %add3A_596, %gather3A_602 : vector<16xf32>
    %add3A_604 = arith.constant 517 : i32
    %add3A_605 = vector.broadcast %add3A_604 : i32 to vector<16xi32>
    %add3A_606 = arith.addi %mul3A_325, %add3A_605 : vector<16xi32>
    %gather3A_607 = tpu.vector_load_idx %arg10[%add3A_606] : memref<1024xf32, #tpu.memory_space<vmem>>[vector<16xi32>], vector<16xf32>,
    %add3A_608 = arith.addf %add3A_601, %gather3A_607 : vector<16xf32>
    %gather3A_609 = tpu.vector_load_idx %arg11[%add3A_606] : memref<1024xf32, #tpu.memory_space<vmem>>[vector<16xi32>], vector<16xf32>,
    %add3A_610 = arith.addf %add3A_603, %gather3A_609 : vector<16xf32>
    %add3A_611 = arith.constant 518 : i32
    %add3A_612 = vector.broadcast %add3A_611 : i32 to vector<16xi32>
    %add3A_613 = arith.addi %mul3A_325, %add3A_612 : vector<16xi32>
    %gather3A_614 = tpu.vector_load_idx %arg10[%add3A_613] : memref<1024xf32, #tpu.memory_space<vmem>>[vector<16xi32>], vector<16xf32>,
    %add3A_615 = arith.addf %add3A_608, %gather3A_614 : vector<16xf32>
    %gather3A_616 = tpu.vector_load_idx %arg11[%add3A_613] : memref<1024xf32, #tpu.memory_space<vmem>>[vector<16xi32>], vector<16xf32>,
    %add3A_617 = arith.addf %add3A_610, %gather3A_616 : vector<16xf32>
    %add3A_618 = arith.constant 519 : i32
    %add3A_619 = vector.broadcast %add3A_618 : i32 to vector<16xi32>
    %add3A_620 = arith.addi %mul3A_325, %add3A_619 : vector<16xi32>
    %gather3A_621 = tpu.vector_load_idx %arg10[%add3A_620] : memref<1024xf32, #tpu.memory_space<vmem>>[vector<16xi32>], vector<16xf32>,
    %add3A_622 = arith.addf %add3A_615, %gather3A_621 : vector<16xf32>
    %gather3A_623 = tpu.vector_load_idx %arg11[%add3A_620] : memref<1024xf32, #tpu.memory_space<vmem>>[vector<16xi32>], vector<16xf32>,
    %add3A_624 = arith.addf %add3A_617, %gather3A_623 : vector<16xf32>
    %add3A_625 = arith.constant 520 : i32
    %add3A_626 = vector.broadcast %add3A_625 : i32 to vector<16xi32>
    %add3A_627 = arith.addi %mul3A_325, %add3A_626 : vector<16xi32>
    %gather3A_628 = tpu.vector_load_idx %arg10[%add3A_627] : memref<1024xf32, #tpu.memory_space<vmem>>[vector<16xi32>], vector<16xf32>,
    %add3A_629 = arith.addf %add3A_622, %gather3A_628 : vector<16xf32>
    %gather3A_630 = tpu.vector_load_idx %arg11[%add3A_627] : memref<1024xf32, #tpu.memory_space<vmem>>[vector<16xi32>], vector<16xf32>,
    %add3A_631 = arith.addf %add3A_624, %gather3A_630 : vector<16xf32>
    %add3A_632 = arith.constant 521 : i32
    %add3A_633 = vector.broadcast %add3A_632 : i32 to vector<16xi32>
    %add3A_634 = arith.addi %mul3A_325, %add3A_633 : vector<16xi32>
    %gather3A_635 = tpu.vector_load_idx %arg10[%add3A_634] : memref<1024xf32, #tpu.memory_space<vmem>>[vector<16xi32>], vector<16xf32>,
    %add3A_636 = arith.addf %add3A_629, %gather3A_635 : vector<16xf32>
    %gather3A_637 = tpu.vector_load_idx %arg11[%add3A_634] : memref<1024xf32, #tpu.memory_space<vmem>>[vector<16xi32>], vector<16xf32>,
    %add3A_638 = arith.addf %add3A_631, %gather3A_637 : vector<16xf32>
    %add3A_639 = arith.constant 522 : i32
    %add3A_640 = vector.broadcast %add3A_639 : i32 to vector<16xi32>
    %add3A_641 = arith.addi %mul3A_325, %add3A_640 : vector<16xi32>
    %gather3A_642 = tpu.vector_load_idx %arg10[%add3A_641] : memref<1024xf32, #tpu.memory_space<vmem>>[vector<16xi32>], vector<16xf32>,
    %add3A_643 = arith.addf %add3A_636, %gather3A_642 : vector<16xf32>
    %gather3A_644 = tpu.vector_load_idx %arg11[%add3A_641] : memref<1024xf32, #tpu.memory_space<vmem>>[vector<16xi32>], vector<16xf32>,
    %add3A_645 = arith.addf %add3A_638, %gather3A_644 : vector<16xf32>
    %add3A_646 = arith.constant 523 : i32
    %add3A_647 = vector.broadcast %add3A_646 : i32 to vector<16xi32>
    %add3A_648 = arith.addi %mul3A_325, %add3A_647 : vector<16xi32>
    %gather3A_649 = tpu.vector_load_idx %arg10[%add3A_648] : memref<1024xf32, #tpu.memory_space<vmem>>[vector<16xi32>], vector<16xf32>,
    %add3A_650 = arith.addf %add3A_643, %gather3A_649 : vector<16xf32>
    %gather3A_651 = tpu.vector_load_idx %arg11[%add3A_648] : memref<1024xf32, #tpu.memory_space<vmem>>[vector<16xi32>], vector<16xf32>,
    %add3A_652 = arith.addf %add3A_645, %gather3A_651 : vector<16xf32>
    %add3A_653 = arith.constant 524 : i32
    %add3A_654 = vector.broadcast %add3A_653 : i32 to vector<16xi32>
    %add3A_655 = arith.addi %mul3A_325, %add3A_654 : vector<16xi32>
    %gather3A_656 = tpu.vector_load_idx %arg10[%add3A_655] : memref<1024xf32, #tpu.memory_space<vmem>>[vector<16xi32>], vector<16xf32>,
    %add3A_657 = arith.addf %add3A_650, %gather3A_656 : vector<16xf32>
    %gather3A_658 = tpu.vector_load_idx %arg11[%add3A_655] : memref<1024xf32, #tpu.memory_space<vmem>>[vector<16xi32>], vector<16xf32>,
    %add3A_659 = arith.addf %add3A_652, %gather3A_658 : vector<16xf32>
    %add3A_660 = arith.constant 525 : i32
    %add3A_661 = vector.broadcast %add3A_660 : i32 to vector<16xi32>
    %add3A_662 = arith.addi %mul3A_325, %add3A_661 : vector<16xi32>
    %gather3A_663 = tpu.vector_load_idx %arg10[%add3A_662] : memref<1024xf32, #tpu.memory_space<vmem>>[vector<16xi32>], vector<16xf32>,
    %add3A_664 = arith.addf %add3A_657, %gather3A_663 : vector<16xf32>
    %gather3A_665 = tpu.vector_load_idx %arg11[%add3A_662] : memref<1024xf32, #tpu.memory_space<vmem>>[vector<16xi32>], vector<16xf32>,
    %add3A_666 = arith.addf %add3A_659, %gather3A_665 : vector<16xf32>
    %add3A_667 = arith.constant 526 : i32
    %add3A_668 = vector.broadcast %add3A_667 : i32 to vector<16xi32>
    %add3A_669 = arith.addi %mul3A_325, %add3A_668 : vector<16xi32>
    %gather3A_670 = tpu.vector_load_idx %arg10[%add3A_669] : memref<1024xf32, #tpu.memory_space<vmem>>[vector<16xi32>], vector<16xf32>,
    %add3A_671 = arith.addf %add3A_664, %gather3A_670 : vector<16xf32>
    %gather3A_672 = tpu.vector_load_idx %arg11[%add3A_669] : memref<1024xf32, #tpu.memory_space<vmem>>[vector<16xi32>], vector<16xf32>,
    %add3A_673 = arith.addf %add3A_666, %gather3A_672 : vector<16xf32>
    %add3A_674 = arith.constant 527 : i32
    %add3A_675 = vector.broadcast %add3A_674 : i32 to vector<16xi32>
    %add3A_676 = arith.addi %mul3A_325, %add3A_675 : vector<16xi32>
    %gather3A_677 = tpu.vector_load_idx %arg10[%add3A_676] : memref<1024xf32, #tpu.memory_space<vmem>>[vector<16xi32>], vector<16xf32>,
    %add3A_678 = arith.addf %add3A_671, %gather3A_677 : vector<16xf32>
    %gather3A_679 = tpu.vector_load_idx %arg11[%add3A_676] : memref<1024xf32, #tpu.memory_space<vmem>>[vector<16xi32>], vector<16xf32>,
    %add3A_680 = arith.addf %add3A_673, %gather3A_679 : vector<16xf32>
    %swap3A_681 = arith.constant 32 : index
    %swap3A_682 = tpu.vector_load %arg12[%swap3A_681] {strides = array<i32>} : memref<64xf32, #tpu.memory_space<vmem>>, vector<16xf32>,
    tpu.vector_store %arg12[%swap3A_681], %add3A_678 {strides = array<i32>} : memref<64xf32, #tpu.memory_space<vmem>>, vector<16xf32>,
    %swap3A_683 = arith.constant 32 : index
    %swap3A_684 = tpu.vector_load %arg13[%swap3A_683] {strides = array<i32>} : memref<64xf32, #tpu.memory_space<vmem>>, vector<16xf32>,
    tpu.vector_store %arg13[%swap3A_683], %add3A_680 {strides = array<i32>} : memref<64xf32, #tpu.memory_space<vmem>>, vector<16xf32>,
    %broadcast_in_dim3A_685 = arith.constant 0.000000e+00 : f32
    %broadcast_in_dim3A_686 = vector.broadcast %broadcast_in_dim3A_685 : f32 to vector<16xf32>
    %broadcast_in_dim3A_687 = arith.constant 0.000000e+00 : f32
    %broadcast_in_dim3A_688 = vector.broadcast %broadcast_in_dim3A_687 : f32 to vector<16xf32>
    %add3A_689 = arith.constant 768 : i32
    %add3A_690 = vector.broadcast %add3A_689 : i32 to vector<16xi32>
    %add3A_691 = arith.addi %mul3A_325, %add3A_690 : vector<16xi32>
    %gather3A_692 = tpu.vector_load_idx %arg10[%add3A_691] : memref<1024xf32, #tpu.memory_space<vmem>>[vector<16xi32>], vector<16xf32>,
    %add3A_693 = arith.addf %broadcast_in_dim3A_686, %gather3A_692 : vector<16xf32>
    %gather3A_694 = tpu.vector_load_idx %arg11[%add3A_691] : memref<1024xf32, #tpu.memory_space<vmem>>[vector<16xi32>], vector<16xf32>,
    %add3A_695 = arith.addf %broadcast_in_dim3A_688, %gather3A_694 : vector<16xf32>
    %add3A_696 = arith.constant 769 : i32
    %add3A_697 = vector.broadcast %add3A_696 : i32 to vector<16xi32>
    %add3A_698 = arith.addi %mul3A_325, %add3A_697 : vector<16xi32>
    %gather3A_699 = tpu.vector_load_idx %arg10[%add3A_698] : memref<1024xf32, #tpu.memory_space<vmem>>[vector<16xi32>], vector<16xf32>,
    %add3A_700 = arith.addf %add3A_693, %gather3A_699 : vector<16xf32>
    %gather3A_701 = tpu.vector_load_idx %arg11[%add3A_698] : memref<1024xf32, #tpu.memory_space<vmem>>[vector<16xi32>], vector<16xf32>,
    %add3A_702 = arith.addf %add3A_695, %gather3A_701 : vector<16xf32>
    %add3A_703 = arith.constant 770 : i32
    %add3A_704 = vector.broadcast %add3A_703 : i32 to vector<16xi32>
    %add3A_705 = arith.addi %mul3A_325, %add3A_704 : vector<16xi32>
    %gather3A_706 = tpu.vector_load_idx %arg10[%add3A_705] : memref<1024xf32, #tpu.memory_space<vmem>>[vector<16xi32>], vector<16xf32>,
    %add3A_707 = arith.addf %add3A_700, %gather3A_706 : vector<16xf32>
    %gather3A_708 = tpu.vector_load_idx %arg11[%add3A_705] : memref<1024xf32, #tpu.memory_space<vmem>>[vector<16xi32>], vector<16xf32>,
    %add3A_709 = arith.addf %add3A_702, %gather3A_708 : vector<16xf32>
    %add3A_710 = arith.constant 771 : i32
    %add3A_711 = vector.broadcast %add3A_710 : i32 to vector<16xi32>
    %add3A_712 = arith.addi %mul3A_325, %add3A_711 : vector<16xi32>
    %gather3A_713 = tpu.vector_load_idx %arg10[%add3A_712] : memref<1024xf32, #tpu.memory_space<vmem>>[vector<16xi32>], vector<16xf32>,
    %add3A_714 = arith.addf %add3A_707, %gather3A_713 : vector<16xf32>
    %gather3A_715 = tpu.vector_load_idx %arg11[%add3A_712] : memref<1024xf32, #tpu.memory_space<vmem>>[vector<16xi32>], vector<16xf32>,
    %add3A_716 = arith.addf %add3A_709, %gather3A_715 : vector<16xf32>
    %add3A_717 = arith.constant 772 : i32
    %add3A_718 = vector.broadcast %add3A_717 : i32 to vector<16xi32>
    %add3A_719 = arith.addi %mul3A_325, %add3A_718 : vector<16xi32>
    %gather3A_720 = tpu.vector_load_idx %arg10[%add3A_719] : memref<1024xf32, #tpu.memory_space<vmem>>[vector<16xi32>], vector<16xf32>,
    %add3A_721 = arith.addf %add3A_714, %gather3A_720 : vector<16xf32>
    %gather3A_722 = tpu.vector_load_idx %arg11[%add3A_719] : memref<1024xf32, #tpu.memory_space<vmem>>[vector<16xi32>], vector<16xf32>,
    %add3A_723 = arith.addf %add3A_716, %gather3A_722 : vector<16xf32>
    %add3A_724 = arith.constant 773 : i32
    %add3A_725 = vector.broadcast %add3A_724 : i32 to vector<16xi32>
    %add3A_726 = arith.addi %mul3A_325, %add3A_725 : vector<16xi32>
    %gather3A_727 = tpu.vector_load_idx %arg10[%add3A_726] : memref<1024xf32, #tpu.memory_space<vmem>>[vector<16xi32>], vector<16xf32>,
    %add3A_728 = arith.addf %add3A_721, %gather3A_727 : vector<16xf32>
    %gather3A_729 = tpu.vector_load_idx %arg11[%add3A_726] : memref<1024xf32, #tpu.memory_space<vmem>>[vector<16xi32>], vector<16xf32>,
    %add3A_730 = arith.addf %add3A_723, %gather3A_729 : vector<16xf32>
    %add3A_731 = arith.constant 774 : i32
    %add3A_732 = vector.broadcast %add3A_731 : i32 to vector<16xi32>
    %add3A_733 = arith.addi %mul3A_325, %add3A_732 : vector<16xi32>
    %gather3A_734 = tpu.vector_load_idx %arg10[%add3A_733] : memref<1024xf32, #tpu.memory_space<vmem>>[vector<16xi32>], vector<16xf32>,
    %add3A_735 = arith.addf %add3A_728, %gather3A_734 : vector<16xf32>
    %gather3A_736 = tpu.vector_load_idx %arg11[%add3A_733] : memref<1024xf32, #tpu.memory_space<vmem>>[vector<16xi32>], vector<16xf32>,
    %add3A_737 = arith.addf %add3A_730, %gather3A_736 : vector<16xf32>
    %add3A_738 = arith.constant 775 : i32
    %add3A_739 = vector.broadcast %add3A_738 : i32 to vector<16xi32>
    %add3A_740 = arith.addi %mul3A_325, %add3A_739 : vector<16xi32>
    %gather3A_741 = tpu.vector_load_idx %arg10[%add3A_740] : memref<1024xf32, #tpu.memory_space<vmem>>[vector<16xi32>], vector<16xf32>,
    %add3A_742 = arith.addf %add3A_735, %gather3A_741 : vector<16xf32>
    %gather3A_743 = tpu.vector_load_idx %arg11[%add3A_740] : memref<1024xf32, #tpu.memory_space<vmem>>[vector<16xi32>], vector<16xf32>,
    %add3A_744 = arith.addf %add3A_737, %gather3A_743 : vector<16xf32>
    %add3A_745 = arith.constant 776 : i32
    %add3A_746 = vector.broadcast %add3A_745 : i32 to vector<16xi32>
    %add3A_747 = arith.addi %mul3A_325, %add3A_746 : vector<16xi32>
    %gather3A_748 = tpu.vector_load_idx %arg10[%add3A_747] : memref<1024xf32, #tpu.memory_space<vmem>>[vector<16xi32>], vector<16xf32>,
    %add3A_749 = arith.addf %add3A_742, %gather3A_748 : vector<16xf32>
    %gather3A_750 = tpu.vector_load_idx %arg11[%add3A_747] : memref<1024xf32, #tpu.memory_space<vmem>>[vector<16xi32>], vector<16xf32>,
    %add3A_751 = arith.addf %add3A_744, %gather3A_750 : vector<16xf32>
    %add3A_752 = arith.constant 777 : i32
    %add3A_753 = vector.broadcast %add3A_752 : i32 to vector<16xi32>
    %add3A_754 = arith.addi %mul3A_325, %add3A_753 : vector<16xi32>
    %gather3A_755 = tpu.vector_load_idx %arg10[%add3A_754] : memref<1024xf32, #tpu.memory_space<vmem>>[vector<16xi32>], vector<16xf32>,
    %add3A_756 = arith.addf %add3A_749, %gather3A_755 : vector<16xf32>
    %gather3A_757 = tpu.vector_load_idx %arg11[%add3A_754] : memref<1024xf32, #tpu.memory_space<vmem>>[vector<16xi32>], vector<16xf32>,
    %add3A_758 = arith.addf %add3A_751, %gather3A_757 : vector<16xf32>
    %add3A_759 = arith.constant 778 : i32
    %add3A_760 = vector.broadcast %add3A_759 : i32 to vector<16xi32>
    %add3A_761 = arith.addi %mul3A_325, %add3A_760 : vector<16xi32>
    %gather3A_762 = tpu.vector_load_idx %arg10[%add3A_761] : memref<1024xf32, #tpu.memory_space<vmem>>[vector<16xi32>], vector<16xf32>,
    %add3A_763 = arith.addf %add3A_756, %gather3A_762 : vector<16xf32>
    %gather3A_764 = tpu.vector_load_idx %arg11[%add3A_761] : memref<1024xf32, #tpu.memory_space<vmem>>[vector<16xi32>], vector<16xf32>,
    %add3A_765 = arith.addf %add3A_758, %gather3A_764 : vector<16xf32>
    %add3A_766 = arith.constant 779 : i32
    %add3A_767 = vector.broadcast %add3A_766 : i32 to vector<16xi32>
    %add3A_768 = arith.addi %mul3A_325, %add3A_767 : vector<16xi32>
    %gather3A_769 = tpu.vector_load_idx %arg10[%add3A_768] : memref<1024xf32, #tpu.memory_space<vmem>>[vector<16xi32>], vector<16xf32>,
    %add3A_770 = arith.addf %add3A_763, %gather3A_769 : vector<16xf32>
    %gather3A_771 = tpu.vector_load_idx %arg11[%add3A_768] : memref<1024xf32, #tpu.memory_space<vmem>>[vector<16xi32>], vector<16xf32>,
    %add3A_772 = arith.addf %add3A_765, %gather3A_771 : vector<16xf32>
    %add3A_773 = arith.constant 780 : i32
    %add3A_774 = vector.broadcast %add3A_773 : i32 to vector<16xi32>
    %add3A_775 = arith.addi %mul3A_325, %add3A_774 : vector<16xi32>
    %gather3A_776 = tpu.vector_load_idx %arg10[%add3A_775] : memref<1024xf32, #tpu.memory_space<vmem>>[vector<16xi32>], vector<16xf32>,
    %add3A_777 = arith.addf %add3A_770, %gather3A_776 : vector<16xf32>
    %gather3A_778 = tpu.vector_load_idx %arg11[%add3A_775] : memref<1024xf32, #tpu.memory_space<vmem>>[vector<16xi32>], vector<16xf32>,
    %add3A_779 = arith.addf %add3A_772, %gather3A_778 : vector<16xf32>
    %add3A_780 = arith.constant 781 : i32
    %add3A_781 = vector.broadcast %add3A_780 : i32 to vector<16xi32>
    %add3A_782 = arith.addi %mul3A_325, %add3A_781 : vector<16xi32>
    %gather3A_783 = tpu.vector_load_idx %arg10[%add3A_782] : memref<1024xf32, #tpu.memory_space<vmem>>[vector<16xi32>], vector<16xf32>,
    %add3A_784 = arith.addf %add3A_777, %gather3A_783 : vector<16xf32>
    %gather3A_785 = tpu.vector_load_idx %arg11[%add3A_782] : memref<1024xf32, #tpu.memory_space<vmem>>[vector<16xi32>], vector<16xf32>,
    %add3A_786 = arith.addf %add3A_779, %gather3A_785 : vector<16xf32>
    %add3A_787 = arith.constant 782 : i32
    %add3A_788 = vector.broadcast %add3A_787 : i32 to vector<16xi32>
    %add3A_789 = arith.addi %mul3A_325, %add3A_788 : vector<16xi32>
    %gather3A_790 = tpu.vector_load_idx %arg10[%add3A_789] : memref<1024xf32, #tpu.memory_space<vmem>>[vector<16xi32>], vector<16xf32>,
    %add3A_791 = arith.addf %add3A_784, %gather3A_790 : vector<16xf32>
    %gather3A_792 = tpu.vector_load_idx %arg11[%add3A_789] : memref<1024xf32, #tpu.memory_space<vmem>>[vector<16xi32>], vector<16xf32>,
    %add3A_793 = arith.addf %add3A_786, %gather3A_792 : vector<16xf32>
    %add3A_794 = arith.constant 783 : i32
    %add3A_795 = vector.broadcast %add3A_794 : i32 to vector<16xi32>
    %add3A_796 = arith.addi %mul3A_325, %add3A_795 : vector<16xi32>
    %gather3A_797 = tpu.vector_load_idx %arg10[%add3A_796] : memref<1024xf32, #tpu.memory_space<vmem>>[vector<16xi32>], vector<16xf32>,
    %add3A_798 = arith.addf %add3A_791, %gather3A_797 : vector<16xf32>
    %gather3A_799 = tpu.vector_load_idx %arg11[%add3A_796] : memref<1024xf32, #tpu.memory_space<vmem>>[vector<16xi32>], vector<16xf32>,
    %add3A_800 = arith.addf %add3A_793, %gather3A_799 : vector<16xf32>
    %swap3A_801 = arith.constant 48 : index
    %swap3A_802 = tpu.vector_load %arg12[%swap3A_801] {strides = array<i32>} : memref<64xf32, #tpu.memory_space<vmem>>, vector<16xf32>,
    tpu.vector_store %arg12[%swap3A_801], %add3A_798 {strides = array<i32>} : memref<64xf32, #tpu.memory_space<vmem>>, vector<16xf32>,
    %swap3A_803 = arith.constant 48 : index
    %swap3A_804 = tpu.vector_load %arg13[%swap3A_803] {strides = array<i32>} : memref<64xf32, #tpu.memory_space<vmem>>, vector<16xf32>,
    tpu.vector_store %arg13[%swap3A_803], %add3A_800 {strides = array<i32>} : memref<64xf32, #tpu.memory_space<vmem>>, vector<16xf32>,
    "tpu.region"() ({
      %run_scoped3A = tpu.sem_alloc : memref<!tpu.dma_semaphore, #tpu.memory_space<semaphore_mem>>
      %dma_start3A_805 = arith.constant 0 : i32
      %dma_start3A_806 = tpu.memref_slice %arg4[%add3A, %dma_start3A_805] : memref<32x64xf32, #tpu.memory_space<hbm>> -> memref<1x64xf32, #tpu.memory_space<hbm>>
      %dma_start3A_807 = tpu.memref_squeeze %dma_start3A_806 : memref<1x64xf32, #tpu.memory_space<hbm>> -> memref<64xf32, #tpu.memory_space<hbm>>
      %dma_start3A_808 = arith.constant 0 : i32
      %dma_start3A_809 = tpu.memref_slice %arg4[%add3A, %dma_start3A_808] : memref<32x64xf32, #tpu.memory_space<hbm>> -> memref<1x64xf32, #tpu.memory_space<hbm>>
      %dma_start3A_810 = tpu.memref_squeeze %dma_start3A_809 : memref<1x64xf32, #tpu.memory_space<hbm>> -> memref<64xf32, #tpu.memory_space<hbm>>
      tpu.enqueue_dma source(%arg12 : memref<64xf32, #tpu.memory_space<vmem>>) target(%dma_start3A_810 : memref<64xf32, #tpu.memory_space<hbm>>) target_semaphore(%run_scoped3A : memref<!tpu.dma_semaphore, #tpu.memory_space<semaphore_mem>>)
      %dma_wait3A_811 = arith.constant 0 : i32
      %dma_wait3A_812 = tpu.memref_slice %arg4[%add3A, %dma_wait3A_811] : memref<32x64xf32, #tpu.memory_space<hbm>> -> memref<1x64xf32, #tpu.memory_space<hbm>>
      %dma_wait3A_813 = tpu.memref_squeeze %dma_wait3A_812 : memref<1x64xf32, #tpu.memory_space<hbm>> -> memref<64xf32, #tpu.memory_space<hbm>>
      %dma_wait3A_814 = arith.constant 0 : i32
      %dma_wait3A_815 = tpu.memref_slice %arg4[%add3A, %dma_wait3A_814] : memref<32x64xf32, #tpu.memory_space<hbm>> -> memref<1x64xf32, #tpu.memory_space<hbm>>
      %dma_wait3A_816 = tpu.memref_squeeze %dma_wait3A_815 : memref<1x64xf32, #tpu.memory_space<hbm>> -> memref<64xf32, #tpu.memory_space<hbm>>
      tpu.wait_dma2 semaphore(%run_scoped3A : memref<!tpu.dma_semaphore, #tpu.memory_space<semaphore_mem>>) src(%arg12 : memref<64xf32, #tpu.memory_space<vmem>>) dst(%dma_wait3A_816 : memref<64xf32, #tpu.memory_space<hbm>>)
      tpu.yield
    }) : () -> ()
    "tpu.region"() ({
      %run_scoped3A = tpu.sem_alloc : memref<!tpu.dma_semaphore, #tpu.memory_space<semaphore_mem>>
      %dma_start3A_805 = arith.constant 0 : i32
      %dma_start3A_806 = tpu.memref_slice %arg5[%add3A, %dma_start3A_805] : memref<32x64xf32, #tpu.memory_space<hbm>> -> memref<1x64xf32, #tpu.memory_space<hbm>>
      %dma_start3A_807 = tpu.memref_squeeze %dma_start3A_806 : memref<1x64xf32, #tpu.memory_space<hbm>> -> memref<64xf32, #tpu.memory_space<hbm>>
      %dma_start3A_808 = arith.constant 0 : i32
      %dma_start3A_809 = tpu.memref_slice %arg5[%add3A, %dma_start3A_808] : memref<32x64xf32, #tpu.memory_space<hbm>> -> memref<1x64xf32, #tpu.memory_space<hbm>>
      %dma_start3A_810 = tpu.memref_squeeze %dma_start3A_809 : memref<1x64xf32, #tpu.memory_space<hbm>> -> memref<64xf32, #tpu.memory_space<hbm>>
      tpu.enqueue_dma source(%arg13 : memref<64xf32, #tpu.memory_space<vmem>>) target(%dma_start3A_810 : memref<64xf32, #tpu.memory_space<hbm>>) target_semaphore(%run_scoped3A : memref<!tpu.dma_semaphore, #tpu.memory_space<semaphore_mem>>)
      %dma_wait3A_811 = arith.constant 0 : i32
      %dma_wait3A_812 = tpu.memref_slice %arg5[%add3A, %dma_wait3A_811] : memref<32x64xf32, #tpu.memory_space<hbm>> -> memref<1x64xf32, #tpu.memory_space<hbm>>
      %dma_wait3A_813 = tpu.memref_squeeze %dma_wait3A_812 : memref<1x64xf32, #tpu.memory_space<hbm>> -> memref<64xf32, #tpu.memory_space<hbm>>
      %dma_wait3A_814 = arith.constant 0 : i32
      %dma_wait3A_815 = tpu.memref_slice %arg5[%add3A, %dma_wait3A_814] : memref<32x64xf32, #tpu.memory_space<hbm>> -> memref<1x64xf32, #tpu.memory_space<hbm>>
      %dma_wait3A_816 = tpu.memref_squeeze %dma_wait3A_815 : memref<1x64xf32, #tpu.memory_space<hbm>> -> memref<64xf32, #tpu.memory_space<hbm>>
      tpu.wait_dma2 semaphore(%run_scoped3A : memref<!tpu.dma_semaphore, #tpu.memory_space<semaphore_mem>>) src(%arg13 : memref<64xf32, #tpu.memory_space<vmem>>) dst(%dma_wait3A_816 : memref<64xf32, #tpu.memory_space<hbm>>)
      tpu.yield
    }) : () -> ()
    return
  }
}

module attributes {stable_mosaic.version = 14 : i64} {
  func.func @fin(%arg0: memref<32x64xf32, #tpu.memory_space<vmem>>, %arg1: memref<32x64xf32, #tpu.memory_space<vmem>>, %arg2: memref<1x64xf32, #tpu.memory_space<vmem>>, %arg3: memref<1x1xf32, #tpu.memory_space<vmem>>, %arg4: memref<1x64xf32, #tpu.memory_space<vmem>>, %arg5: memref<1x64xf32, #tpu.memory_space<vmem>>) attributes {dimension_semantics = [], scalar_prefetch = 0 : i64, scratch_operands = 0 : i64, tpu.core_type = #tpu.core_type<tc>} {
    %get3A = arith.constant 0 : index
    %get3A_0 = arith.constant 0 : index
    %get3A_1 = vector.load %arg0[%get3A, %get3A_0] : memref<32x64xf32, #tpu.memory_space<vmem>>, vector<32x64xf32>
    %reduce_sum3A = arith.constant dense<0.000000e+00> : vector<64xf32>
    %reduce_sum3A_2 = vector.multi_reduction <add>, %get3A_1, %reduce_sum3A [0] : vector<32x64xf32> to vector<64xf32>
    %broadcast_in_dim3A = vector.shape_cast %reduce_sum3A_2 : vector<64xf32> to vector<1x64xf32>
    %get3A_3 = arith.constant 0 : index
    %get3A_4 = arith.constant 0 : index
    %get3A_5 = vector.load %arg1[%get3A_3, %get3A_4] : memref<32x64xf32, #tpu.memory_space<vmem>>, vector<32x64xf32>
    %reduce_sum3A_6 = arith.constant dense<0.000000e+00> : vector<64xf32>
    %reduce_sum3A_7 = vector.multi_reduction <add>, %get3A_5, %reduce_sum3A_6 [0] : vector<32x64xf32> to vector<64xf32>
    %broadcast_in_dim3A_8 = vector.shape_cast %reduce_sum3A_7 : vector<64xf32> to vector<1x64xf32>
    %get3A_9 = arith.constant 0 : index
    %get3A_10 = arith.constant 0 : index
    %get3A_11 = vector.load %arg2[%get3A_9, %get3A_10] : memref<1x64xf32, #tpu.memory_space<vmem>>, vector<1x64xf32>
    %mul3A = arith.mulf %broadcast_in_dim3A, %get3A_11 : vector<1x64xf32>
    %reduce_sum3A_12 = vector.shape_cast %mul3A : vector<1x64xf32> to vector<1x1x64xf32>
    %reduce_sum3A_13 = arith.constant dense<0.000000e+00> : vector<1xf32>
    %reduce_sum3A_14 = vector.multi_reduction <add>, %reduce_sum3A_12, %reduce_sum3A_13 [1, 2] : vector<1x1x64xf32> to vector<1xf32>
    %reduce_sum3A_15 = vector.shape_cast %reduce_sum3A_14 : vector<1xf32> to vector<1x1x1xf32>
    %reduce_sum3A_16 = vector.extract %reduce_sum3A_15[0, 0, 0] : f32 from vector<1x1x1xf32>
    %div3A = arith.constant 1.600000e+06 : f32
    %div3A_17 = arith.divf %reduce_sum3A_16, %div3A : f32
    %reshape3A = vector.broadcast %div3A_17 : f32 to vector<1x1xf32>
    %swap3A = arith.constant 0 : index
    %swap3A_18 = arith.constant 0 : index
    %swap3A_19 = vector.load %arg3[%swap3A, %swap3A_18] : memref<1x1xf32, #tpu.memory_space<vmem>>, vector<1x1xf32>
    tpu.vector_store %arg3[%swap3A, %swap3A_18], %reshape3A {strides = array<i32>} : memref<1x1xf32, #tpu.memory_space<vmem>>, vector<1x1xf32>,
    %swap3A_20 = arith.constant 0 : index
    %swap3A_21 = arith.constant 0 : index
    %swap3A_22 = vector.load %arg5[%swap3A_20, %swap3A_21] : memref<1x64xf32, #tpu.memory_space<vmem>>, vector<1x64xf32>
    tpu.vector_store %arg5[%swap3A_20, %swap3A_21], %broadcast_in_dim3A_8 {strides = array<i32>} : memref<1x64xf32, #tpu.memory_space<vmem>>, vector<1x64xf32>,
    %eq3A = arith.constant 0.000000e+00 : f32
    %eq3A_23 = vector.broadcast %eq3A : f32 to vector<1x64xf32>
    %eq3A_24 = arith.cmpf oeq, %broadcast_in_dim3A_8, %eq3A_23 : vector<1x64xf32>
    %convert_element_type3A = arith.extui %eq3A_24 : vector<1x64xi1> to vector<1x64xi32>
    %convert_element_type3A_25 = arith.sitofp %convert_element_type3A : vector<1x64xi32> to vector<1x64xf32>
    %add3A = arith.addf %broadcast_in_dim3A_8, %convert_element_type3A_25 : vector<1x64xf32>
    %div3A_26 = arith.divf %broadcast_in_dim3A, %add3A : vector<1x64xf32>
    %swap3A_27 = arith.constant 0 : index
    %swap3A_28 = arith.constant 0 : index
    %swap3A_29 = vector.load %arg4[%swap3A_27, %swap3A_28] : memref<1x64xf32, #tpu.memory_space<vmem>>, vector<1x64xf32>
    tpu.vector_store %arg4[%swap3A_27, %swap3A_28], %div3A_26 {strides = array<i32>} : memref<1x64xf32, #tpu.memory_space<vmem>>, vector<1x64xf32>,
    return
  }
}

</mosaic_0001>

<sc_bundles>
// kernel: kernel.4.cloned.1.call-start
scs
__scs_entry_jumppad:
0x0: {  	(pc) =	sbr.rel $0x88, $3  }
0x1: {  	(tag) =	ssettag $0x0;
	lr =	simm.s32 $0x1  }
0x2: {  	[smem:$0x3F9E] =	sst lr;
	_ =	strace $0xD0000000  }
0x3: {  	_ = 	snop  }
0x4: {  	_ = 	snop  }
0x5: {  	_ = 	snop  }
0x6: {  	_ = 	snop  }
0x7: {  	_ = 	snop  }
__scs_overlays_trampoline_lowered:
0x8: {  	[smem:$0x3FAD] =	sst s0  }
0x9: {  	[smem:$0x3FAE] =	sst s1  }
0xa: {  	[smem:$0x3FAF] =	sst s2  }
0xb: {  	[smem:$0x3FB0] =	sst s3  }
0xc: {  	[smem:$0x3FB1] =	sst s4  }
0xd: {  	[smem:$0x3FB2] =	sst s5  }
0xe: {  	[smem:$0x3FB3] =	sst s6  }
0xf: {  	[smem:$0x3FB4] =	sst s7  }
0x10: {  	[smem:$0x3FB5] =	sst s8  }
0x11: {  	[smem:$0x3FB6] =	sst s9;
	s0 =	simm.s32 @!p0 $0x0  }
0x12: {  	s1 =	sld [smem:$0x3F9C];
	s0 =	simm.s32 @p0 $0x1  }
0x13: {  	[smem:$0x3FB7] =	sst s0;
	s0 =	simm.s32 @!p1 $0x0  }
0x14: {  	s2 =	sld [smem:$0x3F9B];
	s0 =	simm.s32 @p1 $0x1  }
0x15: {  	[smem:$0x3FB8] =	sst s0;
	s0 =	simm.s32 @!p2 $0x0  }
0x16: {  	s3 =	sld [smem:$0x3FDB];
	s0 =	simm.s32 @p2 $0x1  }
0x17: {  	s4 =	simm.s32 $0x1BF5;
	[smem:$0x3FBA] =	sst s0  }
0x18: {  	s0 =	sld [smem:$0x3F9D];
	_ =	swait.ge [sflag:s4], $0x0  }
0x19: {  	s7 =	sld [smem:$0x3F9E]  }
0x1a: {  	s8 =	sadd.s32 $0xFFFFE003, lr  }
0x1b: {  	s9 =	sadd.s32 $0xFFFFFEF7, lr;
	s5 =	simm.s32 $0xFFFFFFFF;
	p2 =	slt.u32 s8, $0xFFFFF086  }
0x1c: {  	p1 =	slt.u32 s9, $0xF7A;
	s5 =	simm.s32 @!p2 $0x0  }
0x1d: {  	s5 =	simm.s32 @p1 $0x1;
	p0 =	seq.s32 s7, s2  }
0x1e: {  	s7 =	smul.u32 @!p0 $0xF7A, s2;
	p2 =	seq.s32 @!p0 s5, $0x0  }
0x1f: {  	s9 =	smul.u32 $0xF7A, s1;
	s8 =	simm.s32 @!p0 $0x1BF5;
	p2 =	por !p2, p0  }
0x20: {  	[sflag:s8] =	ssyncset.s32 @!p0 $0xFFFFF086;
	s6 =	sadd.s32 @!p0 s3, s7;
	s7 =	simm.s32 @!p0 $0x108  }
0x21: {  	s3 =	sadd.s32 s3, s9;
	s6 =	sadd.s32 @!p0 $0x88, s6;
	s7 =	simm.s32 @p2 $0x1082  }
0x22: {  	[simem:s7], [sflag:s8] =	dma.local @!p0 [hbm:s6], $0xF7A  }
0x23: {  	s9 =	sor.u32 $0xD0000000, s2;
	s6 =	simm.s32 $0x108;
	_ =	swait.ge @!p0 [sflag:s8], $0x0  }
0x24: {  	s3 =	sadd.s32 $0x88, s3;
	s6 =	simm.s32 @!p1 $0x1082;
	[sflag:s4] =	ssyncset.s32 $0xFFFFF086  }
0x25: {  	[simem:s6], [sflag:s4] =	dma.local [hbm:s3], $0xF7A  }
0x26: {  	[smem:$0x3F9E] =	sst s1;
	(tag) =	ssettag s2;
	_ =	strace s9  }
0x27: {  	s1 =	sld [smem:$0x3FAE]  }
0x28: {  	s2 =	sld [smem:$0x3FAF]  }
0x29: {  	s4 =	sld [smem:$0x3FB1]  }
0x2a: {  	p0 =	seq.s32 s5, $0x0;
	s5 =	sld [smem:$0x3FB2]  }
0x2b: {  	s6 =	sld [smem:$0x3FB3]  }
0x2c: {  	s7 =	sld [smem:$0x3FB4]  }
0x2d: {  	s3 =	simm.s32 $0x108;
	s8 =	sld [smem:$0x3FB5]  }
0x2e: {  	s3 =	simm.s32 @!p0 $0x1082;
	s9 =	sld [smem:$0x3FB6]  }
0x2f: {  	lr =	sadd.s32 s0, s3;
	s0 =	sld [smem:$0x3FAD]  }
0x30: {  	s3 =	sld [smem:$0x3FB0]  }
0x31: {  	[smem:$0x3FB9] =	sst s10  }
0x32: {  	s10 =	sld [smem:$0x3FB7];
	_ =	sdelay $0x3  }
0x33: {  	p0 =	seq.s32 s10, $0x1;
	s10 =	sld [smem:$0x3FB9];
	_ =	sdelay $0x3  }
0x34: {  	[smem:$0x3FB9] =	sst s10  }
0x35: {  	s10 =	sld [smem:$0x3FB8];
	_ =	sdelay $0x3  }
0x36: {  	p1 =	seq.s32 s10, $0x1;
	s10 =	sld [smem:$0x3FB9];
	_ =	sdelay $0x3  }
0x37: {  	[smem:$0x3FB9] =	sst s10  }
0x38: {  	s10 =	sld [smem:$0x3FBA]  }
0x39: {  	_ = 	snop;
	(pc) =	sbr.ind lr, $3  }
0x3a: {  	_ = 	snop  }
0x3b: {  	_ = 	snop  }
0x3c: {  	p2 =	seq.s32 s10, $0x1;
	s10 =	sld [smem:$0x3FB9]  }
0x3d: {  	_ =	shalt  }
0x3e: {  	_ =	shalt  }
0x3f: {  	_ =	shalt  }
0x40: {  	_ =	shalt  }
0x41: {  	_ =	shalt  }
0x42: {  	_ =	shalt  }
0x43: {  	_ =	shalt  }
0x44: {  	_ =	shalt  }
0x45: {  	_ =	shalt  }
0x46: {  	_ =	shalt  }
0x47: {  	_ =	shalt  }
0x48: {  	_ =	shalt  }
0x49: {  	_ =	shalt  }
0x4a: {  	_ =	shalt  }
0x4b: {  	_ =	shalt  }
0x4c: {  	_ =	shalt  }
0x4d: {  	_ =	shalt  }
0x4e: {  	_ =	shalt  }
0x4f: {  	_ =	shalt  }
0x50: {  	_ =	shalt  }
0x51: {  	_ =	shalt  }
0x52: {  	_ =	shalt  }
0x53: {  	_ =	shalt  }
0x54: {  	_ =	shalt  }
0x55: {  	_ =	shalt  }
0x56: {  	_ =	shalt  }
0x57: {  	_ =	shalt  }
0x58: {  	_ =	shalt  }
0x59: {  	_ =	shalt  }
0x5a: {  	_ =	shalt  }
0x5b: {  	_ =	shalt  }
0x5c: {  	_ =	shalt  }
0x5d: {  	_ =	shalt  }
0x5e: {  	_ =	shalt  }
0x5f: {  	_ =	shalt  }
0x60: {  	_ =	shalt  }
0x61: {  	_ =	shalt  }
0x62: {  	_ =	shalt  }
0x63: {  	_ =	shalt  }
0x64: {  	_ =	shalt  }
0x65: {  	_ =	shalt  }
0x66: {  	_ =	shalt  }
0x67: {  	_ =	shalt  }
0x68: {  	_ =	shalt  }
0x69: {  	_ =	shalt  }
0x6a: {  	_ =	shalt  }
0x6b: {  	_ =	shalt  }
0x6c: {  	_ =	shalt  }
0x6d: {  	_ =	shalt  }
0x6e: {  	_ =	shalt  }
0x6f: {  	_ =	shalt  }
0x70: {  	_ =	shalt  }
0x71: {  	_ =	shalt  }
0x72: {  	_ =	shalt  }
0x73: {  	_ =	shalt  }
0x74: {  	_ =	shalt  }
0x75: {  	_ =	shalt  }
0x76: {  	_ =	shalt  }
0x77: {  	_ =	shalt  }
0x78: {  	_ =	shalt  }
0x79: {  	_ =	shalt  }
0x7a: {  	_ =	shalt  }
0x7b: {  	_ =	shalt  }
0x7c: {  	_ =	shalt  }
0x7d: {  	_ =	shalt  }
0x7e: {  	_ =	shalt  }
0x7f: {  	_ =	shalt  }
0x80: {  	_ =	shalt  }
0x81: {  	_ =	shalt  }
0x82: {  	_ =	shalt  }
0x83: {  	_ =	shalt  }
0x84: {  	_ =	shalt  }
0x85: {  	_ =	shalt  }
0x86: {  	_ =	shalt  }
0x87: {  	_ =	shalt  }
.Lfunc_end0:
.L_simem_size_0:
called_computation_lowered:
.L_overlay_start_0:
0x88: {  	s2 =	sld [smem:$0x3FD9]  }
0x89: {  	s3 =	sld [smem:$0x3FFE];
	_ =	sdelay $0x1  }
0x8a: {  	s1 =	srdreg.scid  }
0x8b: {  	s0 =	sand.u32 $0x1, s1  }
0x8c: {  	s17 =	sshll.u32 s0, $0xA;
	s2 =	sadd.s32 s3, s2  }
0x8d: {  	s2 =	sadd.s32 s2, s17  }
0x8e: {  	[smem:$0x3FC5] =	sst s2  }
0x8f: {  	_ = 	snop  }
0x90: {  	s2 =	sld [smem:$0x3FC9]  }
0x91: {  	s18 =	sld [smem:$0x3FC8];
	(tm) =	ssettm $0x1  }
0x92: {  	s4 =	sld [smem:$0x3FFB];
	_ =	sdelay $0x3  }
0x93: {  	_ =	strace s4  }
0x94: {  	s4 =	sld [smem:$0x3FFC];
	_ =	sdelay $0x3  }
0x95: {  	_ =	strace s4  }
0x96: {  	s4 =	sld [smem:$0x3FFD];
	_ =	sdelay $0x3  }
0x97: {  	_ =	strace s4  }
0x98: {  	_ =	strace $0x8FFFFFFF  }
0x99: {  	s19 =	sld [smem:$0x3FDB];
	_ =	sdelay $0x1  }
0x9a: {  	s5 =	simm.s32 $_scs_section_size  }
0x9b: {  	s6 =	simm.s32 $_size__tile_overlayer_lowered;
	s7 =	simm.s32 $_tile_overlayer_lowered  }
0x9c: {  	s22 =	simm.s32 $0x1BFF;
	s21 =	sshll.u32 s7, $0x1;
	s4 =	sadd.s32 s5, s19  }
0x9d: {  	s8 =	simm.s32 $0x0;
	s20 =	sshll.u32 s6, $0x1;
	s6 =	sadd.s32 s21, s4  }
0x9e: {  	[timem:s8], [sflag:s22] =	dma.local [hbm:s6], s20  }
0x9f: {  	_ =	swait.ge [sflag:s22], s20  }
0xa0: {  	s5 =	ssub.s32 $0x0, s20;
	[sflag:s22] =	ssyncset.done $0x0  }
0xa1: {  	[sflag:s22] =	ssyncadd.s32 s5;
	_ =	sdelay $0x1  }
0xa2: {  	s23 =	simm.s32 $0x1B8B  }
0xa3: {  	_ =	swait.ge [sflag:s23], $0x1  }
0xa4: {  	[sflag:s23] =	ssyncset.done $0x0  }
0xa5: {  	s25 =	simm.s32 $0x1B8E;
	s24 =	sld [smem:$0x3FFE];
	[sflag:s23] =	ssyncadd.s32 $0xFFFFFFFF  }
0xa6: {  	s26 =	simm.s32 $execute0_lowered;
	[smem:$0x3FD2] =	sst s25  }
0xa7: {  	s6 =	sshll.u32 s26, $0x1;
	_ =	strace $0x80000046;
	[dreg:$0x1] =	wrdreg $0xFFFFFFFF  }
0xa8: {  	s28 =	simm.s32 $_size_execute0_lowered;
	s4 =	sadd.s32 s4, s6;
	[dreg:$0x0] =	wrdreg $0x0  }
0xa9: {  	s6 =	sshll.u32 s28, $0x1;
	[dreg:$0x2] =	wrdreg s4  }
0xaa: {  	[dreg:$0x3] =	wrdreg s6  }
0xab: {  	[dreg:$0x4] =	wrdreg $0xC0  }
0xac: {  	_ =	task [dreg:s8], $0x5FFFF  }
0xad: {  	[dreg:$0x1] =	wrdreg $0xFFFFFFFF  }
0xae: {  	[dreg:$0x0] =	wrdreg $0x60  }
0xaf: {  	[dreg:$0x2] =	wrdreg s2  }
0xb0: {  	[dreg:$0x3] =	wrdreg s18  }
0xb1: {  	[dreg:$0x4] =	wrdreg s24  }
0xb2: {  	[dreg:$0x5] =	wrdreg $0x9  }
0xb3: {  	_ =	task.clear_ibuf [dreg:s8], $0x6FFFF;
	_ =	strace $0x90000046  }
0xb4: {  	s29 =	simm.s32 $0x9;
	_ =	strace $0x80000048  }
0xb5: {  	_ =	swait.ge [sflag:s29], $0x1  }
0xb6: {  	[sflag:s29] =	ssyncadd.s32 $0xFFFFFFFF  }
0xb7: {  	_ =	strace $0x90000048  }
0xb8: {  	_ =	sfence  }
0xb9: {  	s30 =	sld [smem:$0x0];
	_ =	sdelay $0x2  }
0xba: {  	s31 =	sshll.u32 s1, $0xD;
	s1 =	sshrl.u32 s1, $0x2  }
0xbb: {  	s3 =	sand.u32 $0x4000, s31;
	s1 =	sadd.s32 s1, s30  }
0xbc: {  	s0 =	sor.u32 s3, s0;
	s1 =	sshll.u32 s1, $0x11  }
0xbd: {  	s0 =	sor.u32 s1, s0  }
0xbe: {  	s0 =	sadd.s32 $0x8F2B, s0  }
0xbf: {  	[sflag:s0] =	ssyncadd.remote.s32 $0x1  }
0xc0: {  	_ =	sfence.sel $0xFFFF  }
0xc1: {  	[dreg:$0x0] =	wrdreg $0xFFFFFFFF;
	(pc) =	sbr.abs _section_cstart, $3  }
0xc2: {  	[dreg:$0x1] =	wrdreg $0xFFFFFFFF  }
0xc3: {  	_ =	task.clear_ibuf [dreg:s8], $0x2FFFF;
	_ =	strace $0x9FFFFFFF  }
0xc4: {  	(tm) =	ssettm $0x7FFFFFFF  }
0xc5: {  	_ =	shalt  }
tec
execute0_lowered:
.L_overlay_start_1:
0x0: {  	(tag) =	ssettag $0x1  }
0x1: {  	s11 =	rddreg [dreg:$0x0]  }
0x2: {  	s12 =	rddreg [dreg:$0x1];
	s1 =	srdreg.scid  }
0x3: {  	s0 =	stileid.u32;
	s3 =	rddreg [dreg:$0x2]  }
0x4: {  	s2 =	simm.s32 $0x0;
	s16 =	simm.s32 $0x4F00;
	s17 =	simm.s32 $0x2780  }
0x5: {  	s18 =	simm.s32 $0x7680;
	s19 =	simm.s32 $0x1;
	s20 =	simm.s32 $0x9E00  }
0x6: {  	s21 =	simm.s32 $0xA200;
	s22 =	simm.s32 $0x2;
	s23 =	simm.s32 $0xA600  }
0x7: {  	s24 =	simm.s32 $0x3;
	s4 =	sand.u32 $0x1, s1;
	s5 =	sshll.u32 s0, $0x1  }
0x8: {  	s25 =	simm.s32 $0xA680;
	s26 =	simm.s32 $0x0;
	s5 =	sor.u32 s4, s5  }
0x9: {  	v0 =	vlaneseq.u32;
	[smem:$0x7FF] =	sst s2;
	s4 =	ssub.s32 $0x2, s4;
	s6 =	smul.u32 $0xC350, s5  }
0xa: {  	s1 =	rddreg [dreg:$0x3];
	v1 =	vmul.u32 $0x10, v0;
	_ =	strace $0x80000047;
	s7 =	sshrl.u32 s4, $0x1  }
0xb: {  	s5 =	sshll.u32 s5, $0x4;
	s15 =	ssub.s32 s4, s7;
	s9 =	sshrl.u32 s6, $0x3  }
0xc: {  	v2 =	vimm.f32 $0.0e+00;
	v3 =	vimm.f32 $1.000000000e+00;
	v4 =	vor.u32 $0x1, v1;
	s14 =	sadd.s32 s5, s3;
	s15 =	smax.u32 s15, $0x1;
	s3 =	sadd.s32 s11, s9  }
0xd: {  	v5 =	vor.u32 $0x2, v1;
	v6 =	vor.u32 $0x3, v1;
	v7 =	vor.u32 $0x4, v1;
	s4 =	sadd.s32 s12, s9;
	s6 =	sadd.s32 $0x4E2, s9;
	s8 =	sadd.s32 $0x9C4, s9  }
0xe: {  	v8 =	vor.u32 $0x5, v1;
	v9 =	vor.u32 $0x6, v1;
	v10 =	vor.u32 $0x7, v1;
	s10 =	sadd.s32 $0xEA6, s9;
	s13 =	sadd.s32 $0x1388, s9;
	s5 =	sadd.s32 s11, s6  }
0xf: {  	v11 =	vor.u32 $0x8, v1;
	v12 =	vor.u32 $0x9, v1;
	v13 =	vor.u32 $0xA, v1;
	s6 =	sadd.s32 s12, s6;
	s7 =	sadd.s32 s11, s8;
	s8 =	sadd.s32 s12, s8  }
0x10: {  	v14 =	vor.u32 $0xB, v1;
	v15 =	vor.u32 $0xC, v1;
	v16 =	vor.u32 $0xD, v1;
	s9 =	sadd.s32 s11, s10;
	s10 =	sadd.s32 s12, s10;
	s11 =	sadd.s32 s11, s13  }
0x11: {  	v17 =	vor.u32 $0xE, v1;
	v18 =	vor.u32 $0xF, v1;
	v19 =	vor.u32 $0x100, v1;
	s12 =	sadd.s32 s12, s13;
	s13 =	sadd.s32 $0x1000, s14;
	s14 =	sadd.s32 $0x1200, s14  }
.LBB2_1:
0x12: {  	[tilespmem:$0x9E00] =	vst v2  }
0x13: {  	[tilespmem:$0xA200] =	vst v2  }
0x14: {  	[tilespmem:$0x9E10] =	vst v2  }
0x15: {  	[tilespmem:$0xA210] =	vst v2  }
0x16: {  	[tilespmem:$0x9E20] =	vst v2  }
0x17: {  	[tilespmem:$0xA220] =	vst v2  }
0x18: {  	[tilespmem:$0x9E30] =	vst v2  }
0x19: {  	[tilespmem:$0xA230] =	vst v2  }
0x1a: {  	[tilespmem:$0x9E40] =	vst v2  }
0x1b: {  	[tilespmem:$0xA240] =	vst v2  }
0x1c: {  	[tilespmem:$0x9E50] =	vst v2  }
0x1d: {  	[tilespmem:$0xA250] =	vst v2  }
0x1e: {  	[tilespmem:$0x9E60] =	vst v2  }
0x1f: {  	[tilespmem:$0xA260] =	vst v2  }
0x20: {  	[tilespmem:$0x9E70] =	vst v2  }
0x21: {  	[tilespmem:$0xA270] =	vst v2  }
0x22: {  	[tilespmem:$0x9E80] =	vst v2  }
0x23: {  	[tilespmem:$0xA280] =	vst v2  }
0x24: {  	[tilespmem:$0x9E90] =	vst v2  }
0x25: {  	[tilespmem:$0xA290] =	vst v2  }
0x26: {  	[tilespmem:$0x9EA0] =	vst v2  }
0x27: {  	[tilespmem:$0xA2A0] =	vst v2  }
0x28: {  	[tilespmem:$0x9EB0] =	vst v2  }
0x29: {  	[tilespmem:$0xA2B0] =	vst v2  }
0x2a: {  	[tilespmem:$0x9EC0] =	vst v2  }
0x2b: {  	[tilespmem:$0xA2C0] =	vst v2  }
0x2c: {  	[tilespmem:$0x9ED0] =	vst v2  }
0x2d: {  	[tilespmem:$0xA2D0] =	vst v2  }
0x2e: {  	[tilespmem:$0x9EE0] =	vst v2  }
0x2f: {  	[tilespmem:$0xA2E0] =	vst v2  }
0x30: {  	[tilespmem:$0x9EF0] =	vst v2  }
0x31: {  	[tilespmem:$0xA2F0] =	vst v2  }
0x32: {  	[tilespmem:$0x9F00] =	vst v2  }
0x33: {  	[tilespmem:$0xA300] =	vst v2  }
0x34: {  	[tilespmem:$0x9F10] =	vst v2  }
0x35: {  	[tilespmem:$0xA310] =	vst v2  }
0x36: {  	[tilespmem:$0x9F20] =	vst v2  }
0x37: {  	[tilespmem:$0xA320] =	vst v2  }
0x38: {  	[tilespmem:$0x9F30] =	vst v2  }
0x39: {  	[tilespmem:$0xA330] =	vst v2  }
0x3a: {  	[tilespmem:$0x9F40] =	vst v2  }
0x3b: {  	[tilespmem:$0xA340] =	vst v2  }
0x3c: {  	[tilespmem:$0x9F50] =	vst v2  }
0x3d: {  	[tilespmem:$0xA350] =	vst v2  }
0x3e: {  	[tilespmem:$0x9F60] =	vst v2  }
0x3f: {  	[tilespmem:$0xA360] =	vst v2  }
0x40: {  	[tilespmem:$0x9F70] =	vst v2  }
0x41: {  	[tilespmem:$0xA370] =	vst v2  }
0x42: {  	[tilespmem:$0x9F80] =	vst v2  }
0x43: {  	[tilespmem:$0xA380] =	vst v2  }
0x44: {  	[tilespmem:$0x9F90] =	vst v2  }
0x45: {  	[tilespmem:$0xA390] =	vst v2  }
0x46: {  	[tilespmem:$0x9FA0] =	vst v2  }
0x47: {  	[tilespmem:$0xA3A0] =	vst v2  }
0x48: {  	[tilespmem:$0x9FB0] =	vst v2  }
0x49: {  	[tilespmem:$0xA3B0] =	vst v2  }
0x4a: {  	[tilespmem:$0x9FC0] =	vst v2  }
0x4b: {  	[tilespmem:$0xA3C0] =	vst v2  }
0x4c: {  	[tilespmem:$0x9FD0] =	vst v2  }
0x4d: {  	[tilespmem:$0xA3D0] =	vst v2  }
0x4e: {  	[tilespmem:$0x9FE0] =	vst v2  }
0x4f: {  	[tilespmem:$0xA3E0] =	vst v2  }
0x50: {  	[tilespmem:$0x9FF0] =	vst v2  }
0x51: {  	[tilespmem:$0xA3F0] =	vst v2  }
0x52: {  	[tilespmem:$0xA000] =	vst v2  }
0x53: {  	[tilespmem:$0xA400] =	vst v2  }
0x54: {  	[tilespmem:$0xA010] =	vst v2  }
0x55: {  	[tilespmem:$0xA410] =	vst v2  }
0x56: {  	[tilespmem:$0xA020] =	vst v2  }
0x57: {  	[tilespmem:$0xA420] =	vst v2  }
0x58: {  	[tilespmem:$0xA030] =	vst v2  }
0x59: {  	[tilespmem:$0xA430] =	vst v2  }
0x5a: {  	[tilespmem:$0xA040] =	vst v2  }
0x5b: {  	[tilespmem:$0xA440] =	vst v2  }
0x5c: {  	[tilespmem:$0xA050] =	vst v2  }
0x5d: {  	[tilespmem:$0xA450] =	vst v2  }
0x5e: {  	[tilespmem:$0xA060] =	vst v2  }
0x5f: {  	[tilespmem:$0xA460] =	vst v2  }
0x60: {  	[tilespmem:$0xA070] =	vst v2  }
0x61: {  	[tilespmem:$0xA470] =	vst v2  }
0x62: {  	[tilespmem:$0xA080] =	vst v2  }
0x63: {  	[tilespmem:$0xA480] =	vst v2  }
0x64: {  	[tilespmem:$0xA090] =	vst v2  }
0x65: {  	[tilespmem:$0xA490] =	vst v2  }
0x66: {  	[tilespmem:$0xA0A0] =	vst v2  }
0x67: {  	[tilespmem:$0xA4A0] =	vst v2  }
0x68: {  	[tilespmem:$0xA0B0] =	vst v2  }
0x69: {  	[tilespmem:$0xA4B0] =	vst v2  }
0x6a: {  	[tilespmem:$0xA0C0] =	vst v2  }
0x6b: {  	[tilespmem:$0xA4C0] =	vst v2  }
0x6c: {  	[tilespmem:$0xA0D0] =	vst v2  }
0x6d: {  	[tilespmem:$0xA4D0] =	vst v2  }
0x6e: {  	[tilespmem:$0xA0E0] =	vst v2  }
0x6f: {  	[tilespmem:$0xA4E0] =	vst v2  }
0x70: {  	[tilespmem:$0xA0F0] =	vst v2  }
0x71: {  	[tilespmem:$0xA4F0] =	vst v2  }
0x72: {  	[tilespmem:$0xA100] =	vst v2  }
0x73: {  	[tilespmem:$0xA500] =	vst v2  }
0x74: {  	[tilespmem:$0xA110] =	vst v2  }
0x75: {  	[tilespmem:$0xA510] =	vst v2  }
0x76: {  	[tilespmem:$0xA120] =	vst v2  }
0x77: {  	[tilespmem:$0xA520] =	vst v2  }
0x78: {  	[tilespmem:$0xA130] =	vst v2  }
0x79: {  	[tilespmem:$0xA530] =	vst v2  }
0x7a: {  	[tilespmem:$0xA140] =	vst v2  }
0x7b: {  	[tilespmem:$0xA540] =	vst v2  }
0x7c: {  	[tilespmem:$0xA150] =	vst v2  }
0x7d: {  	[tilespmem:$0xA550] =	vst v2  }
0x7e: {  	[tilespmem:$0xA160] =	vst v2  }
0x7f: {  	[tilespmem:$0xA560] =	vst v2  }
0x80: {  	[tilespmem:$0xA170] =	vst v2  }
0x81: {  	[tilespmem:$0xA570] =	vst v2  }
0x82: {  	[tilespmem:$0xA180] =	vst v2  }
0x83: {  	[tilespmem:$0xA580] =	vst v2  }
0x84: {  	[tilespmem:$0xA190] =	vst v2  }
0x85: {  	[tilespmem:$0xA590] =	vst v2  }
0x86: {  	[tilespmem:$0xA1A0] =	vst v2  }
0x87: {  	[tilespmem:$0xA5A0] =	vst v2  }
0x88: {  	[tilespmem:$0xA1B0] =	vst v2  }
0x89: {  	[tilespmem:$0xA5B0] =	vst v2  }
0x8a: {  	[tilespmem:$0xA1C0] =	vst v2  }
0x8b: {  	[tilespmem:$0xA5C0] =	vst v2  }
0x8c: {  	[tilespmem:$0xA1D0] =	vst v2  }
0x8d: {  	[tilespmem:$0xA5D0] =	vst v2  }
0x8e: {  	[tilespmem:$0xA1E0] =	vst v2  }
0x8f: {  	[tilespmem:$0xA5E0] =	vst v2  }
0x90: {  	[tilespmem:$0xA1F0] =	vst v2  }
0x91: {  	[tilespmem:$0xA5F0] =	vst v2  }
0x92: {  	[tilespmem:s2], [sflag:$0x1] =	stream.linear.gather [hbm4b:s3+s2], $0x2710, $0x38;
	[tilespmem:$0xA700] =	vst v63  }
0x93: {  	_ = 	snop  }
0x94: {  	[tilespmem:s16], [sflag:$0x1] =	stream.linear.gather [hbm4b:s4+s2], $0x2710, $0x38;
	[tilespmem:$0xA700] =	vst v63  }
0x95: {  	_ = 	snop  }
0x96: {  	[tilespmem:s17], [sflag:$0x2] =	stream.linear.gather [hbm4b:s5+s2], $0x2710, $0x38;
	[tilespmem:$0xA700] =	vst v63  }
0x97: {  	_ = 	snop  }
0x98: {  	[tilespmem:s18], [sflag:$0x2] =	stream.linear.gather [hbm4b:s6+s2], $0x2710, $0x38;
	[tilespmem:$0xA700] =	vst v63  }
0x99: {  	_ =	swait.ge [sflag:s19], $0x2710  }
0x9a: {  	[sflag:s19] =	ssyncset.done $0x0  }
0x9b: {  	[sflag:s19] =	ssyncadd.s32 $0xFFFFD8F0  }
0x9c: {  	_ =	swait.ge [sflag:s19], $0x2710  }
0x9d: {  	[sflag:s19] =	ssyncset.done $0x0  }
0x9e: {  	s29 =	simm.s32 $0x4F40;
	[sflag:s19] =	ssyncadd.s32 $0xFFFFD8F0  }
0x9f: {  	v20 =	vld [tilespmem:s29+$0x30]  }
0xa0: {  	v21 =	vld [tilespmem:s29+$0xFFFFFFD0]  }
0xa1: {  	v22 =	vld [tilespmem:s29+$0xFFFFFFE0]  }
0xa2: {  	v23 =	vld [tilespmem:s29+$0xFFFFFFF0]  }
0xa3: {  	v24 =	vld [tilespmem:s29+$0x0]  }
0xa4: {  	s28 =	simm.s32 $0x40;
	v25 =	vld [tilespmem:s29+$0x10]  }
0xa5: {  	v26 =	vld [tilespmem:s28+$0x30]  }
0xa6: {  	v27 =	vld [tilespmem:s29+$0x20]  }
0xa7: {  	v28 =	vld [tilespmem:s29+$0xFFFFFFC0]  }
0xa8: {  	v29 =	vld [tilespmem:s28+$0xFFFFFFC0]  }
0xa9: {  	v30 =	vld [tilespmem:s28+$0xFFFFFFD0];
	v20 =	vshll.u32 v20, $0x4  }
0xaa: {  	v60 =	vld [tilespmem:s28+$0xFFFFFFE0];
	v22 =	vshll.u32 v22, $0x4;
	v20 =	vor.u32 v0, v20  }
0xab: {  	v61 =	vld [tilespmem:s28+$0xFFFFFFF0];
	v22 =	vor.u32 v0, v22  }
0xac: {  	v31 =	vld [tilespmem:s28+$0x0];
	v23 =	vshll.u32 v23, $0x4  }
0xad: {  	v32 =	vld [tilespmem:s28+$0x10];
	v24 =	vshll.u32 v24, $0x4;
	v23 =	vor.u32 v0, v23  }
0xae: {  	v33 =	vld [tilespmem:s28+$0x20];
	v62 =	vor.u32 v0, v24  }
0xaf: {  	[tilespmem:v20+s20+$0x0] =	vst.idx.add.f32.msk $0xffff, v26  }
0xb0: {  	v21 =	vshll.u32 v21, $0x4;
	[tilespmem:v22+s20+$0x0] =	vst.idx.add.f32.msk $0xffff, v60  }
0xb1: {  	[tilespmem:v20+s21+$0x0] =	vst.idx.add.f32.msk $0xffff, v3;
	v20 =	vor.u32 v0, v21  }
0xb2: {  	[tilespmem:v23+s20+$0x0] =	vst.idx.add.f32.msk $0xffff, v61  }
0xb3: {  	v59 =	vshll.u32 v28, $0x4;
	[tilespmem:v62+s20+$0x0] =	vst.idx.add.f32.msk $0xffff, v31  }
0xb4: {  	v63 =	vshll.u32 v27, $0x4;
	v21 =	vor.u32 v0, v59;
	[tilespmem:v22+s21+$0x0] =	vst.idx.add.f32.msk $0xffff, v3  }
0xb5: {  	v22 =	vor.u32 v0, v63;
	[tilespmem:v23+s21+$0x0] =	vst.idx.add.f32.msk $0xffff, v3  }
0xb6: {  	[tilespmem:v20+s20+$0x0] =	vst.idx.add.f32.msk $0xffff, v30  }
0xb7: {  	[tilespmem:v20+s21+$0x0] =	vst.idx.add.f32.msk $0xffff, v3;
	v20 =	vshll.u32 v25, $0x4  }
0xb8: {  	[tilespmem:v62+s21+$0x0] =	vst.idx.add.f32.msk $0xffff, v3;
	v20 =	vor.u32 v0, v20  }
0xb9: {  	[tilespmem:v21+s20+$0x0] =	vst.idx.add.f32.msk $0xffff, v29  }
0xba: {  	[tilespmem:v22+s20+$0x0] =	vst.idx.add.f32.msk $0xffff, v33  }
0xbb: {  	[tilespmem:v21+s21+$0x0] =	vst.idx.add.f32.msk $0xffff, v3  }
0xbc: {  	[tilespmem:v22+s21+$0x0] =	vst.idx.add.f32.msk $0xffff, v3  }
0xbd: {  	[tilespmem:v20+s20+$0x0] =	vst.idx.add.f32.msk $0xffff, v32  }
0xbe: {  	s30 =	simm.s32 $0x4FC0;
	s29 =	simm.s32 $0x0;
	[tilespmem:v20+s21+$0x0] =	vst.idx.add.f32.msk $0xffff, v3  }
.LBB2_2:
0xbf: {  	v20 =	vld [tilespmem:s30+$0x30]  }
0xc0: {  	s29 =	sadd.s32 $0x8, s29;
	v21 =	vld [tilespmem:s30+$0xFFFFFFD0]  }
0xc1: {  	p0 =	slt.u32 s29, $0x268;
	v22 =	vld [tilespmem:s30+$0xFFFFFFE0]  }
0xc2: {  	v23 =	vld [tilespmem:s30+$0xFFFFFFF0]  }
0xc3: {  	v24 =	vld [tilespmem:s30+$0x0]  }
0xc4: {  	s28 =	sadd.s32 $0x80, s28;
	v25 =	vld [tilespmem:s30+$0x10];
	v20 =	vshll.u32 v20, $0x4  }
0xc5: {  	v21 =	vshll.u32 v21, $0x4;
	v26 =	vld [tilespmem:s28+$0x30];
	v20 =	vor.u32 v0, v20  }
0xc6: {  	v21 =	vor.u32 v0, v21;
	v22 =	vshll.u32 v22, $0x4;
	v27 =	vld [tilespmem:s30+$0x20]  }
0xc7: {  	v28 =	vld [tilespmem:s30+$0xFFFFFFC0];
	v22 =	vor.u32 v0, v22;
	v23 =	vshll.u32 v23, $0x4  }
0xc8: {  	v29 =	vld [tilespmem:s28+$0xFFFFFFC0];
	v23 =	vor.u32 v0, v23;
	v24 =	vshll.u32 v24, $0x4  }
0xc9: {  	v30 =	vld [tilespmem:s28+$0xFFFFFFD0];
	v24 =	vor.u32 v0, v24;
	v25 =	vshll.u32 v25, $0x4  }
0xca: {  	v25 =	vor.u32 v0, v25;
	[tilespmem:v20+s20+$0x0] =	vst.idx.add.f32.msk $0xffff, v26  }
0xcb: {  	v26 =	vshll.u32 v27, $0x4;
	[tilespmem:v20+s21+$0x0] =	vst.idx.add.f32.msk $0xffff, v3  }
0xcc: {  	v20 =	vshll.u32 v28, $0x4;
	v27 =	vld [tilespmem:s28+$0xFFFFFFE0];
	v26 =	vor.u32 v0, v26  }
0xcd: {  	v20 =	vor.u32 v0, v20;
	v28 =	vld [tilespmem:s28+$0xFFFFFFF0]  }
0xce: {  	v31 =	vld [tilespmem:s28+$0x0]  }
0xcf: {  	v32 =	vld [tilespmem:s28+$0x10]  }
0xd0: {  	v33 =	vld [tilespmem:s28+$0x20]  }
0xd1: {  	[tilespmem:v21+s20+$0x0] =	vst.idx.add.f32.msk $0xffff, v30  }
0xd2: {  	[tilespmem:v20+s20+$0x0] =	vst.idx.add.f32.msk $0xffff, v29  }
0xd3: {  	[tilespmem:v20+s21+$0x0] =	vst.idx.add.f32.msk $0xffff, v3  }
0xd4: {  	[tilespmem:v21+s21+$0x0] =	vst.idx.add.f32.msk $0xffff, v3  }
0xd5: {  	[tilespmem:v22+s20+$0x0] =	vst.idx.add.f32.msk $0xffff, v27  }
0xd6: {  	[tilespmem:v22+s21+$0x0] =	vst.idx.add.f32.msk $0xffff, v3  }
0xd7: {  	[tilespmem:v23+s20+$0x0] =	vst.idx.add.f32.msk $0xffff, v28  }
0xd8: {  	[tilespmem:v23+s21+$0x0] =	vst.idx.add.f32.msk $0xffff, v3  }
0xd9: {  	[tilespmem:v24+s20+$0x0] =	vst.idx.add.f32.msk $0xffff, v31  }
.Ltmp0:
0xda: {  	[tilespmem:v24+s21+$0x0] =	vst.idx.add.f32.msk $0xffff, v3;
	(pc) =	sbr.rel @p0 .LBB2_2-.Ltmp0, $4  }
0xdb: {  	[tilespmem:v25+s20+$0x0] =	vst.idx.add.f32.msk $0xffff, v32  }
0xdc: {  	[tilespmem:v25+s21+$0x0] =	vst.idx.add.f32.msk $0xffff, v3  }
0xdd: {  	[tilespmem:v26+s20+$0x0] =	vst.idx.add.f32.msk $0xffff, v33  }
0xde: {  	s30 =	sadd.s32 $0x80, s30;
	[tilespmem:v26+s21+$0x0] =	vst.idx.add.f32.msk $0xffff, v3  }
0xdf: {  	v20 =	vld [tilespmem:$0x7600];
	_ =	sdelay $0x4  }
0xe0: {  	v20 =	vshll.u32 v20, $0x4  }
0xe1: {  	v21 =	vld [tilespmem:$0x2700];
	v20 =	vor.u32 v0, v20;
	_ =	sdelay $0x4  }
0xe2: {  	[tilespmem:v20+s20+$0x0] =	vst.idx.add.f32.msk $0xffff, v21  }
0xe3: {  	[tilespmem:v20+s21+$0x0] =	vst.idx.add.f32.msk $0xffff, v3  }
0xe4: {  	[tilespmem:s2], [sflag:$0x1] =	stream.linear.gather [hbm4b:s7+s2], $0x2710, $0x38;
	[tilespmem:$0xA700] =	vst v63  }
0xe5: {  	_ = 	snop  }
0xe6: {  	[tilespmem:s16], [sflag:$0x1] =	stream.linear.gather [hbm4b:s8+s2], $0x2710, $0x38;
	[tilespmem:$0xA700] =	vst v63  }
0xe7: {  	_ =	swait.ge [sflag:s22], $0x2710  }
0xe8: {  	[sflag:s22] =	ssyncset.done $0x0  }
0xe9: {  	[sflag:s22] =	ssyncadd.s32 $0xFFFFD8F0  }
0xea: {  	_ =	swait.ge [sflag:s22], $0x2710  }
0xeb: {  	[sflag:s22] =	ssyncset.done $0x0  }
0xec: {  	s29 =	simm.s32 $0x76C0;
	[sflag:s22] =	ssyncadd.s32 $0xFFFFD8F0  }
0xed: {  	v20 =	vld [tilespmem:s29+$0x30]  }
0xee: {  	v58 =	vld [tilespmem:s29+$0xFFFFFFD0]  }
0xef: {  	v22 =	vld [tilespmem:s29+$0xFFFFFFE0]  }
0xf0: {  	v23 =	vld [tilespmem:s29+$0xFFFFFFF0]  }
0xf1: {  	v24 =	vld [tilespmem:s29+$0x0]  }
0xf2: {  	s28 =	simm.s32 $0x27C0;
	v25 =	vld [tilespmem:s29+$0x10]  }
0xf3: {  	v26 =	vld [tilespmem:s28+$0x30]  }
0xf4: {  	v27 =	vld [tilespmem:s29+$0x20]  }
0xf5: {  	v28 =	vld [tilespmem:s29+$0xFFFFFFC0]  }
0xf6: {  	v29 =	vld [tilespmem:s28+$0xFFFFFFC0]  }
0xf7: {  	v30 =	vld [tilespmem:s28+$0xFFFFFFD0];
	v20 =	vshll.u32 v20, $0x4  }
0xf8: {  	v60 =	vld [tilespmem:s28+$0xFFFFFFE0];
	v22 =	vshll.u32 v22, $0x4;
	v20 =	vor.u32 v0, v20  }
0xf9: {  	v61 =	vld [tilespmem:s28+$0xFFFFFFF0];
	v22 =	vor.u32 v0, v22  }
0xfa: {  	v31 =	vld [tilespmem:s28+$0x0];
	v23 =	vshll.u32 v23, $0x4  }
0xfb: {  	v32 =	vld [tilespmem:s28+$0x10];
	v24 =	vshll.u32 v24, $0x4;
	v23 =	vor.u32 v0, v23  }
0xfc: {  	v33 =	vld [tilespmem:s28+$0x20];
	v62 =	vor.u32 v0, v24  }
0xfd: {  	[tilespmem:v20+s20+$0x0] =	vst.idx.add.f32.msk $0xffff, v26  }
0xfe: {  	v21 =	vshll.u32 v58, $0x4;
	[tilespmem:v22+s20+$0x0] =	vst.idx.add.f32.msk $0xffff, v60  }
0xff: {  	[tilespmem:v20+s21+$0x0] =	vst.idx.add.f32.msk $0xffff, v3;
	v20 =	vor.u32 v0, v21  }
0x100: {  	[tilespmem:v23+s20+$0x0] =	vst.idx.add.f32.msk $0xffff, v61  }
0x101: {  	v59 =	vshll.u32 v28, $0x4;
	[tilespmem:v62+s20+$0x0] =	vst.idx.add.f32.msk $0xffff, v31  }
0x102: {  	v63 =	vshll.u32 v27, $0x4;
	v21 =	vor.u32 v0, v59;
	[tilespmem:v22+s21+$0x0] =	vst.idx.add.f32.msk $0xffff, v3  }
0x103: {  	v22 =	vor.u32 v0, v63;
	[tilespmem:v23+s21+$0x0] =	vst.idx.add.f32.msk $0xffff, v3  }
0x104: {  	[tilespmem:v20+s20+$0x0] =	vst.idx.add.f32.msk $0xffff, v30  }
0x105: {  	[tilespmem:v20+s21+$0x0] =	vst.idx.add.f32.msk $0xffff, v3;
	v20 =	vshll.u32 v25, $0x4  }
0x106: {  	[tilespmem:v62+s21+$0x0] =	vst.idx.add.f32.msk $0xffff, v3;
	v20 =	vor.u32 v0, v20  }
0x107: {  	[tilespmem:v21+s20+$0x0] =	vst.idx.add.f32.msk $0xffff, v29  }
0x108: {  	[tilespmem:v22+s20+$0x0] =	vst.idx.add.f32.msk $0xffff, v33  }
0x109: {  	[tilespmem:v21+s21+$0x0] =	vst.idx.add.f32.msk $0xffff, v3  }
0x10a: {  	[tilespmem:v22+s21+$0x0] =	vst.idx.add.f32.msk $0xffff, v3  }
0x10b: {  	[tilespmem:v20+s20+$0x0] =	vst.idx.add.f32.msk $0xffff, v32  }
0x10c: {  	s30 =	simm.s32 $0x7740;
	s29 =	simm.s32 $0x0;
	[tilespmem:v20+s21+$0x0] =	vst.idx.add.f32.msk $0xffff, v3  }
.LBB2_4:
0x10d: {  	v20 =	vld [tilespmem:s30+$0x30]  }
0x10e: {  	s29 =	sadd.s32 $0x8, s29;
	v21 =	vld [tilespmem:s30+$0xFFFFFFD0]  }
0x10f: {  	p0 =	slt.u32 s29, $0x268;
	v22 =	vld [tilespmem:s30+$0xFFFFFFE0]  }
0x110: {  	v23 =	vld [tilespmem:s30+$0xFFFFFFF0]  }
0x111: {  	v24 =	vld [tilespmem:s30+$0x0]  }
0x112: {  	s28 =	sadd.s32 $0x80, s28;
	v25 =	vld [tilespmem:s30+$0x10];
	v20 =	vshll.u32 v20, $0x4  }
0x113: {  	v21 =	vshll.u32 v21, $0x4;
	v26 =	vld [tilespmem:s28+$0x30];
	v20 =	vor.u32 v0, v20  }
0x114: {  	v21 =	vor.u32 v0, v21;
	v22 =	vshll.u32 v22, $0x4;
	v27 =	vld [tilespmem:s30+$0x20]  }
0x115: {  	v28 =	vld [tilespmem:s30+$0xFFFFFFC0];
	v22 =	vor.u32 v0, v22;
	v23 =	vshll.u32 v23, $0x4  }
0x116: {  	v29 =	vld [tilespmem:s28+$0xFFFFFFC0];
	v23 =	vor.u32 v0, v23;
	v24 =	vshll.u32 v24, $0x4  }
0x117: {  	v30 =	vld [tilespmem:s28+$0xFFFFFFD0];
	v24 =	vor.u32 v0, v24;
	v25 =	vshll.u32 v25, $0x4  }
0x118: {  	v25 =	vor.u32 v0, v25;
	[tilespmem:v20+s20+$0x0] =	vst.idx.add.f32.msk $0xffff, v26  }
0x119: {  	v26 =	vshll.u32 v27, $0x4;
	[tilespmem:v20+s21+$0x0] =	vst.idx.add.f32.msk $0xffff, v3  }
0x11a: {  	v20 =	vshll.u32 v28, $0x4;
	v27 =	vld [tilespmem:s28+$0xFFFFFFE0];
	v26 =	vor.u32 v0, v26  }
0x11b: {  	v20 =	vor.u32 v0, v20;
	v28 =	vld [tilespmem:s28+$0xFFFFFFF0]  }
0x11c: {  	v31 =	vld [tilespmem:s28+$0x0]  }
0x11d: {  	v32 =	vld [tilespmem:s28+$0x10]  }
0x11e: {  	v33 =	vld [tilespmem:s28+$0x20]  }
0x11f: {  	[tilespmem:v21+s20+$0x0] =	vst.idx.add.f32.msk $0xffff, v30  }
0x120: {  	[tilespmem:v20+s20+$0x0] =	vst.idx.add.f32.msk $0xffff, v29  }
0x121: {  	[tilespmem:v20+s21+$0x0] =	vst.idx.add.f32.msk $0xffff, v3  }
0x122: {  	[tilespmem:v21+s21+$0x0] =	vst.idx.add.f32.msk $0xffff, v3  }
0x123: {  	[tilespmem:v22+s20+$0x0] =	vst.idx.add.f32.msk $0xffff, v27  }
0x124: {  	[tilespmem:v22+s21+$0x0] =	vst.idx.add.f32.msk $0xffff, v3  }
0x125: {  	[tilespmem:v23+s20+$0x0] =	vst.idx.add.f32.msk $0xffff, v28  }
0x126: {  	[tilespmem:v23+s21+$0x0] =	vst.idx.add.f32.msk $0xffff, v3  }
0x127: {  	[tilespmem:v24+s20+$0x0] =	vst.idx.add.f32.msk $0xffff, v31  }
.Ltmp1:
0x128: {  	[tilespmem:v24+s21+$0x0] =	vst.idx.add.f32.msk $0xffff, v3;
	(pc) =	sbr.rel @p0 .LBB2_4-.Ltmp1, $4  }
0x129: {  	[tilespmem:v25+s20+$0x0] =	vst.idx.add.f32.msk $0xffff, v32  }
0x12a: {  	[tilespmem:v25+s21+$0x0] =	vst.idx.add.f32.msk $0xffff, v3  }
0x12b: {  	[tilespmem:v26+s20+$0x0] =	vst.idx.add.f32.msk $0xffff, v33  }
0x12c: {  	s30 =	sadd.s32 $0x80, s30;
	[tilespmem:v26+s21+$0x0] =	vst.idx.add.f32.msk $0xffff, v3  }
0x12d: {  	v20 =	vld [tilespmem:$0x9D80];
	_ =	sdelay $0x4  }
0x12e: {  	v20 =	vshll.u32 v20, $0x4  }
0x12f: {  	v21 =	vld [tilespmem:$0x4E80];
	v20 =	vor.u32 v0, v20;
	_ =	sdelay $0x4  }
0x130: {  	[tilespmem:v20+s20+$0x0] =	vst.idx.add.f32.msk $0xffff, v21  }
0x131: {  	[tilespmem:v20+s21+$0x0] =	vst.idx.add.f32.msk $0xffff, v3  }
0x132: {  	[tilespmem:s17], [sflag:$0x2] =	stream.linear.gather [hbm4b:s9+s2], $0x2710, $0x38;
	[tilespmem:$0xA700] =	vst v63  }
0x133: {  	_ = 	snop  }
0x134: {  	[tilespmem:s18], [sflag:$0x2] =	stream.linear.gather [hbm4b:s10+s2], $0x2710, $0x38;
	[tilespmem:$0xA700] =	vst v63  }
0x135: {  	_ =	swait.ge [sflag:s19], $0x2710  }
0x136: {  	[sflag:s19] =	ssyncset.done $0x0  }
0x137: {  	[sflag:s19] =	ssyncadd.s32 $0xFFFFD8F0  }
0x138: {  	_ =	swait.ge [sflag:s19], $0x2710  }
0x139: {  	[sflag:s19] =	ssyncset.done $0x0  }
0x13a: {  	s29 =	simm.s32 $0x4F40;
	[sflag:s19] =	ssyncadd.s32 $0xFFFFD8F0  }
0x13b: {  	v20 =	vld [tilespmem:s29+$0x30]  }
0x13c: {  	v58 =	vld [tilespmem:s29+$0xFFFFFFD0]  }
0x13d: {  	v22 =	vld [tilespmem:s29+$0xFFFFFFE0]  }
0x13e: {  	v23 =	vld [tilespmem:s29+$0xFFFFFFF0]  }
0x13f: {  	v24 =	vld [tilespmem:s29+$0x0]  }
0x140: {  	s28 =	simm.s32 $0x40;
	v25 =	vld [tilespmem:s29+$0x10]  }
0x141: {  	v26 =	vld [tilespmem:s28+$0x30]  }
0x142: {  	v27 =	vld [tilespmem:s29+$0x20]  }
0x143: {  	v28 =	vld [tilespmem:s29+$0xFFFFFFC0]  }
0x144: {  	v29 =	vld [tilespmem:s28+$0xFFFFFFC0]  }
0x145: {  	v30 =	vld [tilespmem:s28+$0xFFFFFFD0];
	v20 =	vshll.u32 v20, $0x4  }
0x146: {  	v60 =	vld [tilespmem:s28+$0xFFFFFFE0];
	v22 =	vshll.u32 v22, $0x4;
	v20 =	vor.u32 v0, v20  }
0x147: {  	v61 =	vld [tilespmem:s28+$0xFFFFFFF0];
	v22 =	vor.u32 v0, v22  }
0x148: {  	v31 =	vld [tilespmem:s28+$0x0];
	v23 =	vshll.u32 v23, $0x4  }
0x149: {  	v32 =	vld [tilespmem:s28+$0x10];
	v24 =	vshll.u32 v24, $0x4;
	v23 =	vor.u32 v0, v23  }
0x14a: {  	v33 =	vld [tilespmem:s28+$0x20];
	v62 =	vor.u32 v0, v24  }
0x14b: {  	[tilespmem:v20+s20+$0x0] =	vst.idx.add.f32.msk $0xffff, v26  }
0x14c: {  	v21 =	vshll.u32 v58, $0x4;
	[tilespmem:v22+s20+$0x0] =	vst.idx.add.f32.msk $0xffff, v60  }
0x14d: {  	[tilespmem:v20+s21+$0x0] =	vst.idx.add.f32.msk $0xffff, v3;
	v20 =	vor.u32 v0, v21  }
0x14e: {  	[tilespmem:v23+s20+$0x0] =	vst.idx.add.f32.msk $0xffff, v61  }
0x14f: {  	v59 =	vshll.u32 v28, $0x4;
	[tilespmem:v62+s20+$0x0] =	vst.idx.add.f32.msk $0xffff, v31  }
0x150: {  	v63 =	vshll.u32 v27, $0x4;
	v21 =	vor.u32 v0, v59;
	[tilespmem:v22+s21+$0x0] =	vst.idx.add.f32.msk $0xffff, v3  }
0x151: {  	v22 =	vor.u32 v0, v63;
	[tilespmem:v23+s21+$0x0] =	vst.idx.add.f32.msk $0xffff, v3  }
0x152: {  	[tilespmem:v20+s20+$0x0] =	vst.idx.add.f32.msk $0xffff, v30  }
0x153: {  	[tilespmem:v20+s21+$0x0] =	vst.idx.add.f32.msk $0xffff, v3;
	v20 =	vshll.u32 v25, $0x4  }
0x154: {  	[tilespmem:v62+s21+$0x0] =	vst.idx.add.f32.msk $0xffff, v3;
	v20 =	vor.u32 v0, v20  }
0x155: {  	[tilespmem:v21+s20+$0x0] =	vst.idx.add.f32.msk $0xffff, v29  }
0x156: {  	[tilespmem:v22+s20+$0x0] =	vst.idx.add.f32.msk $0xffff, v33  }
0x157: {  	[tilespmem:v21+s21+$0x0] =	vst.idx.add.f32.msk $0xffff, v3  }
0x158: {  	[tilespmem:v22+s21+$0x0] =	vst.idx.add.f32.msk $0xffff, v3  }
0x159: {  	[tilespmem:v20+s20+$0x0] =	vst.idx.add.f32.msk $0xffff, v32  }
0x15a: {  	s30 =	simm.s32 $0x4FC0;
	s29 =	simm.s32 $0x0;
	[tilespmem:v20+s21+$0x0] =	vst.idx.add.f32.msk $0xffff, v3  }
.LBB2_6:
0x15b: {  	v20 =	vld [tilespmem:s30+$0x30]  }
0x15c: {  	s29 =	sadd.s32 $0x8, s29;
	v21 =	vld [tilespmem:s30+$0xFFFFFFD0]  }
0x15d: {  	p0 =	slt.u32 s29, $0x268;
	v22 =	vld [tilespmem:s30+$0xFFFFFFE0]  }
0x15e: {  	v23 =	vld [tilespmem:s30+$0xFFFFFFF0]  }
0x15f: {  	v24 =	vld [tilespmem:s30+$0x0]  }
0x160: {  	s28 =	sadd.s32 $0x80, s28;
	v25 =	vld [tilespmem:s30+$0x10];
	v20 =	vshll.u32 v20, $0x4  }
0x161: {  	v21 =	vshll.u32 v21, $0x4;
	v26 =	vld [tilespmem:s28+$0x30];
	v20 =	vor.u32 v0, v20  }
0x162: {  	v21 =	vor.u32 v0, v21;
	v22 =	vshll.u32 v22, $0x4;
	v27 =	vld [tilespmem:s30+$0x20]  }
0x163: {  	v28 =	vld [tilespmem:s30+$0xFFFFFFC0];
	v22 =	vor.u32 v0, v22;
	v23 =	vshll.u32 v23, $0x4  }
0x164: {  	v29 =	vld [tilespmem:s28+$0xFFFFFFC0];
	v23 =	vor.u32 v0, v23;
	v24 =	vshll.u32 v24, $0x4  }
0x165: {  	v30 =	vld [tilespmem:s28+$0xFFFFFFD0];
	v24 =	vor.u32 v0, v24;
	v25 =	vshll.u32 v25, $0x4  }
0x166: {  	v25 =	vor.u32 v0, v25;
	[tilespmem:v20+s20+$0x0] =	vst.idx.add.f32.msk $0xffff, v26  }
0x167: {  	v26 =	vshll.u32 v27, $0x4;
	[tilespmem:v20+s21+$0x0] =	vst.idx.add.f32.msk $0xffff, v3  }
0x168: {  	v20 =	vshll.u32 v28, $0x4;
	v27 =	vld [tilespmem:s28+$0xFFFFFFE0];
	v26 =	vor.u32 v0, v26  }
0x169: {  	v20 =	vor.u32 v0, v20;
	v28 =	vld [tilespmem:s28+$0xFFFFFFF0]  }
0x16a: {  	v31 =	vld [tilespmem:s28+$0x0]  }
0x16b: {  	v32 =	vld [tilespmem:s28+$0x10]  }
0x16c: {  	v33 =	vld [tilespmem:s28+$0x20]  }
0x16d: {  	[tilespmem:v21+s20+$0x0] =	vst.idx.add.f32.msk $0xffff, v30  }
0x16e: {  	[tilespmem:v20+s20+$0x0] =	vst.idx.add.f32.msk $0xffff, v29  }
0x16f: {  	[tilespmem:v20+s21+$0x0] =	vst.idx.add.f32.msk $0xffff, v3  }
0x170: {  	[tilespmem:v21+s21+$0x0] =	vst.idx.add.f32.msk $0xffff, v3  }
0x171: {  	[tilespmem:v22+s20+$0x0] =	vst.idx.add.f32.msk $0xffff, v27  }
0x172: {  	[tilespmem:v22+s21+$0x0] =	vst.idx.add.f32.msk $0xffff, v3  }
0x173: {  	[tilespmem:v23+s20+$0x0] =	vst.idx.add.f32.msk $0xffff, v28  }
0x174: {  	[tilespmem:v23+s21+$0x0] =	vst.idx.add.f32.msk $0xffff, v3  }
0x175: {  	[tilespmem:v24+s20+$0x0] =	vst.idx.add.f32.msk $0xffff, v31  }
.Ltmp2:
0x176: {  	[tilespmem:v24+s21+$0x0] =	vst.idx.add.f32.msk $0xffff, v3;
	(pc) =	sbr.rel @p0 .LBB2_6-.Ltmp2, $4  }
0x177: {  	[tilespmem:v25+s20+$0x0] =	vst.idx.add.f32.msk $0xffff, v32  }
0x178: {  	[tilespmem:v25+s21+$0x0] =	vst.idx.add.f32.msk $0xffff, v3  }
0x179: {  	[tilespmem:v26+s20+$0x0] =	vst.idx.add.f32.msk $0xffff, v33  }
0x17a: {  	s30 =	sadd.s32 $0x80, s30;
	[tilespmem:v26+s21+$0x0] =	vst.idx.add.f32.msk $0xffff, v3  }
0x17b: {  	v20 =	vld [tilespmem:$0x7600];
	_ =	sdelay $0x4  }
0x17c: {  	v20 =	vshll.u32 v20, $0x4  }
0x17d: {  	v21 =	vld [tilespmem:$0x2700];
	v20 =	vor.u32 v0, v20;
	_ =	sdelay $0x4  }
0x17e: {  	[tilespmem:v20+s20+$0x0] =	vst.idx.add.f32.msk $0xffff, v21  }
0x17f: {  	[tilespmem:v20+s21+$0x0] =	vst.idx.add.f32.msk $0xffff, v3  }
0x180: {  	[tilespmem:s2], [sflag:$0x1] =	stream.linear.gather [hbm4b:s11+s2], $0x2710, $0x38;
	[tilespmem:$0xA700] =	vst v63  }
0x181: {  	_ = 	snop  }
0x182: {  	[tilespmem:s16], [sflag:$0x1] =	stream.linear.gather [hbm4b:s12+s2], $0x2710, $0x38;
	[tilespmem:$0xA700] =	vst v63  }
0x183: {  	_ =	swait.ge [sflag:s22], $0x2710  }
0x184: {  	[sflag:s22] =	ssyncset.done $0x0  }
0x185: {  	[sflag:s22] =	ssyncadd.s32 $0xFFFFD8F0  }
0x186: {  	_ =	swait.ge [sflag:s22], $0x2710  }
0x187: {  	[sflag:s22] =	ssyncset.done $0x0  }
0x188: {  	s29 =	simm.s32 $0x76C0;
	[sflag:s22] =	ssyncadd.s32 $0xFFFFD8F0  }
0x189: {  	v20 =	vld [tilespmem:s29+$0x30]  }
0x18a: {  	v58 =	vld [tilespmem:s29+$0xFFFFFFD0]  }
0x18b: {  	v22 =	vld [tilespmem:s29+$0xFFFFFFE0]  }
0x18c: {  	v23 =	vld [tilespmem:s29+$0xFFFFFFF0]  }
0x18d: {  	v24 =	vld [tilespmem:s29+$0x0]  }
0x18e: {  	s28 =	simm.s32 $0x27C0;
	v25 =	vld [tilespmem:s29+$0x10]  }
0x18f: {  	v26 =	vld [tilespmem:s28+$0x30]  }
0x190: {  	v27 =	vld [tilespmem:s29+$0x20]  }
0x191: {  	v28 =	vld [tilespmem:s29+$0xFFFFFFC0]  }
0x192: {  	v29 =	vld [tilespmem:s28+$0xFFFFFFC0]  }
0x193: {  	v30 =	vld [tilespmem:s28+$0xFFFFFFD0];
	v20 =	vshll.u32 v20, $0x4  }
0x194: {  	v60 =	vld [tilespmem:s28+$0xFFFFFFE0];
	v22 =	vshll.u32 v22, $0x4;
	v20 =	vor.u32 v0, v20  }
0x195: {  	v61 =	vld [tilespmem:s28+$0xFFFFFFF0];
	v22 =	vor.u32 v0, v22  }
0x196: {  	v31 =	vld [tilespmem:s28+$0x0];
	v23 =	vshll.u32 v23, $0x4  }
0x197: {  	v32 =	vld [tilespmem:s28+$0x10];
	v24 =	vshll.u32 v24, $0x4;
	v23 =	vor.u32 v0, v23  }
0x198: {  	v33 =	vld [tilespmem:s28+$0x20];
	v62 =	vor.u32 v0, v24  }
0x199: {  	[tilespmem:v20+s20+$0x0] =	vst.idx.add.f32.msk $0xffff, v26  }
0x19a: {  	v21 =	vshll.u32 v58, $0x4;
	[tilespmem:v22+s20+$0x0] =	vst.idx.add.f32.msk $0xffff, v60  }
0x19b: {  	[tilespmem:v20+s21+$0x0] =	vst.idx.add.f32.msk $0xffff, v3;
	v20 =	vor.u32 v0, v21  }
0x19c: {  	[tilespmem:v23+s20+$0x0] =	vst.idx.add.f32.msk $0xffff, v61  }
0x19d: {  	v59 =	vshll.u32 v28, $0x4;
	[tilespmem:v62+s20+$0x0] =	vst.idx.add.f32.msk $0xffff, v31  }
0x19e: {  	v63 =	vshll.u32 v27, $0x4;
	v21 =	vor.u32 v0, v59;
	[tilespmem:v22+s21+$0x0] =	vst.idx.add.f32.msk $0xffff, v3  }
0x19f: {  	v22 =	vor.u32 v0, v63;
	[tilespmem:v23+s21+$0x0] =	vst.idx.add.f32.msk $0xffff, v3  }
0x1a0: {  	[tilespmem:v20+s20+$0x0] =	vst.idx.add.f32.msk $0xffff, v30  }
0x1a1: {  	[tilespmem:v20+s21+$0x0] =	vst.idx.add.f32.msk $0xffff, v3;
	v20 =	vshll.u32 v25, $0x4  }
0x1a2: {  	[tilespmem:v62+s21+$0x0] =	vst.idx.add.f32.msk $0xffff, v3;
	v20 =	vor.u32 v0, v20  }
0x1a3: {  	[tilespmem:v21+s20+$0x0] =	vst.idx.add.f32.msk $0xffff, v29  }
0x1a4: {  	[tilespmem:v22+s20+$0x0] =	vst.idx.add.f32.msk $0xffff, v33  }
0x1a5: {  	[tilespmem:v21+s21+$0x0] =	vst.idx.add.f32.msk $0xffff, v3  }
0x1a6: {  	[tilespmem:v22+s21+$0x0] =	vst.idx.add.f32.msk $0xffff, v3  }
0x1a7: {  	[tilespmem:v20+s20+$0x0] =	vst.idx.add.f32.msk $0xffff, v32  }
0x1a8: {  	s30 =	simm.s32 $0x7740;
	s29 =	simm.s32 $0x0;
	[tilespmem:v20+s21+$0x0] =	vst.idx.add.f32.msk $0xffff, v3  }
.LBB2_8:
0x1a9: {  	v20 =	vld [tilespmem:s30+$0x30]  }
0x1aa: {  	s29 =	sadd.s32 $0x8, s29;
	v21 =	vld [tilespmem:s30+$0xFFFFFFD0]  }
0x1ab: {  	p0 =	slt.u32 s29, $0x268;
	v22 =	vld [tilespmem:s30+$0xFFFFFFE0]  }
0x1ac: {  	v23 =	vld [tilespmem:s30+$0xFFFFFFF0]  }
0x1ad: {  	v24 =	vld [tilespmem:s30+$0x0]  }
0x1ae: {  	s28 =	sadd.s32 $0x80, s28;
	v25 =	vld [tilespmem:s30+$0x10];
	v20 =	vshll.u32 v20, $0x4  }
0x1af: {  	v21 =	vshll.u32 v21, $0x4;
	v26 =	vld [tilespmem:s28+$0x30];
	v20 =	vor.u32 v0, v20  }
0x1b0: {  	v21 =	vor.u32 v0, v21;
	v22 =	vshll.u32 v22, $0x4;
	v27 =	vld [tilespmem:s30+$0x20]  }
0x1b1: {  	v28 =	vld [tilespmem:s30+$0xFFFFFFC0];
	v22 =	vor.u32 v0, v22;
	v23 =	vshll.u32 v23, $0x4  }
0x1b2: {  	v29 =	vld [tilespmem:s28+$0xFFFFFFC0];
	v23 =	vor.u32 v0, v23;
	v24 =	vshll.u32 v24, $0x4  }
0x1b3: {  	v30 =	vld [tilespmem:s28+$0xFFFFFFD0];
	v24 =	vor.u32 v0, v24;
	v25 =	vshll.u32 v25, $0x4  }
0x1b4: {  	v25 =	vor.u32 v0, v25;
	[tilespmem:v20+s20+$0x0] =	vst.idx.add.f32.msk $0xffff, v26  }
0x1b5: {  	v26 =	vshll.u32 v27, $0x4;
	[tilespmem:v20+s21+$0x0] =	vst.idx.add.f32.msk $0xffff, v3  }
0x1b6: {  	v20 =	vshll.u32 v28, $0x4;
	v27 =	vld [tilespmem:s28+$0xFFFFFFE0];
	v26 =	vor.u32 v0, v26  }
0x1b7: {  	v20 =	vor.u32 v0, v20;
	v28 =	vld [tilespmem:s28+$0xFFFFFFF0]  }
0x1b8: {  	v31 =	vld [tilespmem:s28+$0x0]  }
0x1b9: {  	v32 =	vld [tilespmem:s28+$0x10]  }
0x1ba: {  	v33 =	vld [tilespmem:s28+$0x20]  }
0x1bb: {  	[tilespmem:v21+s20+$0x0] =	vst.idx.add.f32.msk $0xffff, v30  }
0x1bc: {  	[tilespmem:v20+s20+$0x0] =	vst.idx.add.f32.msk $0xffff, v29  }
0x1bd: {  	[tilespmem:v20+s21+$0x0] =	vst.idx.add.f32.msk $0xffff, v3  }
0x1be: {  	[tilespmem:v21+s21+$0x0] =	vst.idx.add.f32.msk $0xffff, v3  }
0x1bf: {  	[tilespmem:v22+s20+$0x0] =	vst.idx.add.f32.msk $0xffff, v27  }
0x1c0: {  	[tilespmem:v22+s21+$0x0] =	vst.idx.add.f32.msk $0xffff, v3  }
0x1c1: {  	[tilespmem:v23+s20+$0x0] =	vst.idx.add.f32.msk $0xffff, v28  }
0x1c2: {  	[tilespmem:v23+s21+$0x0] =	vst.idx.add.f32.msk $0xffff, v3  }
0x1c3: {  	[tilespmem:v24+s20+$0x0] =	vst.idx.add.f32.msk $0xffff, v31  }
.Ltmp3:
0x1c4: {  	[tilespmem:v24+s21+$0x0] =	vst.idx.add.f32.msk $0xffff, v3;
	(pc) =	sbr.rel @p0 .LBB2_8-.Ltmp3, $4  }
0x1c5: {  	[tilespmem:v25+s20+$0x0] =	vst.idx.add.f32.msk $0xffff, v32  }
0x1c6: {  	[tilespmem:v25+s21+$0x0] =	vst.idx.add.f32.msk $0xffff, v3  }
0x1c7: {  	[tilespmem:v26+s20+$0x0] =	vst.idx.add.f32.msk $0xffff, v33  }
0x1c8: {  	s30 =	sadd.s32 $0x80, s30;
	[tilespmem:v26+s21+$0x0] =	vst.idx.add.f32.msk $0xffff, v3  }
0x1c9: {  	v20 =	vld [tilespmem:$0x9D80];
	_ =	sdelay $0x4  }
0x1ca: {  	v20 =	vshll.u32 v20, $0x4  }
0x1cb: {  	v21 =	vld [tilespmem:$0x4E80];
	v20 =	vor.u32 v0, v20;
	_ =	sdelay $0x4  }
0x1cc: {  	[tilespmem:v20+s20+$0x0] =	vst.idx.add.f32.msk $0xffff, v21  }
0x1cd: {  	[tilespmem:v20+s21+$0x0] =	vst.idx.add.f32.msk $0xffff, v3  }
0x1ce: {  	_ =	swait.ge [sflag:s19], $0x2710  }
0x1cf: {  	[sflag:s19] =	ssyncset.done $0x0  }
0x1d0: {  	[sflag:s19] =	ssyncadd.s32 $0xFFFFD8F0  }
0x1d1: {  	_ =	swait.ge [sflag:s19], $0x2710  }
0x1d2: {  	[sflag:s19] =	ssyncset.done $0x0  }
0x1d3: {  	s29 =	simm.s32 $0x4F40;
	[sflag:s19] =	ssyncadd.s32 $0xFFFFD8F0  }
0x1d4: {  	v20 =	vld [tilespmem:s29+$0x30]  }
0x1d5: {  	v58 =	vld [tilespmem:s29+$0xFFFFFFD0]  }
0x1d6: {  	v22 =	vld [tilespmem:s29+$0xFFFFFFE0]  }
0x1d7: {  	v23 =	vld [tilespmem:s29+$0xFFFFFFF0]  }
0x1d8: {  	v24 =	vld [tilespmem:s29+$0x0]  }
0x1d9: {  	s28 =	simm.s32 $0x40;
	v25 =	vld [tilespmem:s29+$0x10]  }
0x1da: {  	v26 =	vld [tilespmem:s28+$0x30]  }
0x1db: {  	v27 =	vld [tilespmem:s29+$0x20]  }
0x1dc: {  	v28 =	vld [tilespmem:s29+$0xFFFFFFC0]  }
0x1dd: {  	v29 =	vld [tilespmem:s28+$0xFFFFFFC0]  }
0x1de: {  	v30 =	vld [tilespmem:s28+$0xFFFFFFD0];
	v20 =	vshll.u32 v20, $0x4  }
0x1df: {  	v60 =	vld [tilespmem:s28+$0xFFFFFFE0];
	v22 =	vshll.u32 v22, $0x4;
	v20 =	vor.u32 v0, v20  }
0x1e0: {  	v61 =	vld [tilespmem:s28+$0xFFFFFFF0];
	v22 =	vor.u32 v0, v22  }
0x1e1: {  	v31 =	vld [tilespmem:s28+$0x0];
	v23 =	vshll.u32 v23, $0x4  }
0x1e2: {  	v32 =	vld [tilespmem:s28+$0x10];
	v24 =	vshll.u32 v24, $0x4;
	v23 =	vor.u32 v0, v23  }
0x1e3: {  	v33 =	vld [tilespmem:s28+$0x20];
	v62 =	vor.u32 v0, v24  }
0x1e4: {  	[tilespmem:v20+s20+$0x0] =	vst.idx.add.f32.msk $0xffff, v26  }
0x1e5: {  	v21 =	vshll.u32 v58, $0x4;
	[tilespmem:v22+s20+$0x0] =	vst.idx.add.f32.msk $0xffff, v60  }
0x1e6: {  	[tilespmem:v20+s21+$0x0] =	vst.idx.add.f32.msk $0xffff, v3;
	v20 =	vor.u32 v0, v21  }
0x1e7: {  	[tilespmem:v23+s20+$0x0] =	vst.idx.add.f32.msk $0xffff, v61  }
0x1e8: {  	v59 =	vshll.u32 v28, $0x4;
	[tilespmem:v62+s20+$0x0] =	vst.idx.add.f32.msk $0xffff, v31  }
0x1e9: {  	v63 =	vshll.u32 v27, $0x4;
	v21 =	vor.u32 v0, v59;
	[tilespmem:v22+s21+$0x0] =	vst.idx.add.f32.msk $0xffff, v3  }
0x1ea: {  	v22 =	vor.u32 v0, v63;
	[tilespmem:v23+s21+$0x0] =	vst.idx.add.f32.msk $0xffff, v3  }
0x1eb: {  	[tilespmem:v20+s20+$0x0] =	vst.idx.add.f32.msk $0xffff, v30  }
0x1ec: {  	[tilespmem:v20+s21+$0x0] =	vst.idx.add.f32.msk $0xffff, v3;
	v20 =	vshll.u32 v25, $0x4  }
0x1ed: {  	[tilespmem:v62+s21+$0x0] =	vst.idx.add.f32.msk $0xffff, v3;
	v20 =	vor.u32 v0, v20  }
0x1ee: {  	[tilespmem:v21+s20+$0x0] =	vst.idx.add.f32.msk $0xffff, v29  }
0x1ef: {  	[tilespmem:v22+s20+$0x0] =	vst.idx.add.f32.msk $0xffff, v33  }
0x1f0: {  	[tilespmem:v21+s21+$0x0] =	vst.idx.add.f32.msk $0xffff, v3  }
0x1f1: {  	[tilespmem:v22+s21+$0x0] =	vst.idx.add.f32.msk $0xffff, v3  }
0x1f2: {  	[tilespmem:v20+s20+$0x0] =	vst.idx.add.f32.msk $0xffff, v32  }
0x1f3: {  	s30 =	simm.s32 $0x4FC0;
	s29 =	simm.s32 $0x0;
	[tilespmem:v20+s21+$0x0] =	vst.idx.add.f32.msk $0xffff, v3  }
.LBB2_10:
0x1f4: {  	v20 =	vld [tilespmem:s30+$0x30]  }
0x1f5: {  	s29 =	sadd.s32 $0x8, s29;
	v21 =	vld [tilespmem:s30+$0xFFFFFFD0]  }
0x1f6: {  	p0 =	slt.u32 s29, $0x268;
	v22 =	vld [tilespmem:s30+$0xFFFFFFE0]  }
0x1f7: {  	v23 =	vld [tilespmem:s30+$0xFFFFFFF0]  }
0x1f8: {  	v24 =	vld [tilespmem:s30+$0x0]  }
0x1f9: {  	s28 =	sadd.s32 $0x80, s28;
	v25 =	vld [tilespmem:s30+$0x10];
	v20 =	vshll.u32 v20, $0x4  }
0x1fa: {  	v21 =	vshll.u32 v21, $0x4;
	v26 =	vld [tilespmem:s28+$0x30];
	v20 =	vor.u32 v0, v20  }
0x1fb: {  	v21 =	vor.u32 v0, v21;
	v22 =	vshll.u32 v22, $0x4;
	v27 =	vld [tilespmem:s30+$0x20]  }
0x1fc: {  	v28 =	vld [tilespmem:s30+$0xFFFFFFC0];
	v22 =	vor.u32 v0, v22;
	v23 =	vshll.u32 v23, $0x4  }
0x1fd: {  	v29 =	vld [tilespmem:s28+$0xFFFFFFC0];
	v23 =	vor.u32 v0, v23;
	v24 =	vshll.u32 v24, $0x4  }
0x1fe: {  	v30 =	vld [tilespmem:s28+$0xFFFFFFD0];
	v24 =	vor.u32 v0, v24;
	v25 =	vshll.u32 v25, $0x4  }
0x1ff: {  	v25 =	vor.u32 v0, v25;
	[tilespmem:v20+s20+$0x0] =	vst.idx.add.f32.msk $0xffff, v26  }
0x200: {  	v26 =	vshll.u32 v27, $0x4;
	[tilespmem:v20+s21+$0x0] =	vst.idx.add.f32.msk $0xffff, v3  }
0x201: {  	v20 =	vshll.u32 v28, $0x4;
	v27 =	vld [tilespmem:s28+$0xFFFFFFE0];
	v26 =	vor.u32 v0, v26  }
0x202: {  	v20 =	vor.u32 v0, v20;
	v28 =	vld [tilespmem:s28+$0xFFFFFFF0]  }
0x203: {  	v31 =	vld [tilespmem:s28+$0x0]  }
0x204: {  	v32 =	vld [tilespmem:s28+$0x10]  }
0x205: {  	v33 =	vld [tilespmem:s28+$0x20]  }
0x206: {  	[tilespmem:v21+s20+$0x0] =	vst.idx.add.f32.msk $0xffff, v30  }
0x207: {  	[tilespmem:v20+s20+$0x0] =	vst.idx.add.f32.msk $0xffff, v29  }
0x208: {  	[tilespmem:v20+s21+$0x0] =	vst.idx.add.f32.msk $0xffff, v3  }
0x209: {  	[tilespmem:v21+s21+$0x0] =	vst.idx.add.f32.msk $0xffff, v3  }
0x20a: {  	[tilespmem:v22+s20+$0x0] =	vst.idx.add.f32.msk $0xffff, v27  }
0x20b: {  	[tilespmem:v22+s21+$0x0] =	vst.idx.add.f32.msk $0xffff, v3  }
0x20c: {  	[tilespmem:v23+s20+$0x0] =	vst.idx.add.f32.msk $0xffff, v28  }
0x20d: {  	[tilespmem:v23+s21+$0x0] =	vst.idx.add.f32.msk $0xffff, v3  }
0x20e: {  	[tilespmem:v24+s20+$0x0] =	vst.idx.add.f32.msk $0xffff, v31  }
.Ltmp4:
0x20f: {  	[tilespmem:v24+s21+$0x0] =	vst.idx.add.f32.msk $0xffff, v3;
	(pc) =	sbr.rel @p0 .LBB2_10-.Ltmp4, $4  }
0x210: {  	[tilespmem:v25+s20+$0x0] =	vst.idx.add.f32.msk $0xffff, v32  }
0x211: {  	[tilespmem:v25+s21+$0x0] =	vst.idx.add.f32.msk $0xffff, v3  }
0x212: {  	[tilespmem:v26+s20+$0x0] =	vst.idx.add.f32.msk $0xffff, v33  }
0x213: {  	s30 =	sadd.s32 $0x80, s30;
	[tilespmem:v26+s21+$0x0] =	vst.idx.add.f32.msk $0xffff, v3  }
0x214: {  	v20 =	vld [tilespmem:$0x7600];
	_ =	sdelay $0x4  }
0x215: {  	v20 =	vshll.u32 v20, $0x4  }
0x216: {  	v21 =	vld [tilespmem:$0x2700];
	v20 =	vor.u32 v0, v20;
	_ =	sdelay $0x4  }
0x217: {  	[tilespmem:v20+s20+$0x0] =	vst.idx.add.f32.msk $0xffff, v21  }
0x218: {  	[tilespmem:v20+s21+$0x0] =	vst.idx.add.f32.msk $0xffff, v3  }
0x219: {  	v20 =	vld.idx.msk [tilespmem:v1+s20+$0x0], $0xffff  }
0x21a: {  	v21 =	vld.idx.msk [tilespmem:v1+s21+$0x0], $0xffff  }
0x21b: {  	v22 =	vld.idx.msk [tilespmem:v4+s20+$0x0], $0xffff  }
0x21c: {  	v23 =	vld.idx.msk [tilespmem:v4+s21+$0x0], $0xffff  }
0x21d: {  	v24 =	vld.idx.msk [tilespmem:v5+s20+$0x0], $0xffff  }
0x21e: {  	v25 =	vld.idx.msk [tilespmem:v5+s21+$0x0], $0xffff;
	v20 =	vadd.f32 $0.0e+00, v20  }
0x21f: {  	v26 =	vld.idx.msk [tilespmem:v6+s20+$0x0], $0xffff;
	v21 =	vadd.f32 $0.0e+00, v21  }
0x220: {  	v63 =	vld.idx.msk [tilespmem:v6+s21+$0x0], $0xffff;
	v20 =	vadd.f32 v22, v20  }
0x221: {  	v28 =	vld.idx.msk [tilespmem:v7+s20+$0x0], $0xffff;
	v21 =	vadd.f32 v23, v21  }
0x222: {  	v29 =	vld.idx.msk [tilespmem:v7+s21+$0x0], $0xffff;
	v20 =	vadd.f32 v24, v20  }
0x223: {  	v30 =	vld.idx.msk [tilespmem:v8+s20+$0x0], $0xffff;
	v21 =	vadd.f32 v25, v21  }
0x224: {  	v31 =	vld.idx.msk [tilespmem:v8+s21+$0x0], $0xffff;
	v20 =	vadd.f32 v26, v20  }
0x225: {  	v32 =	vld.idx.msk [tilespmem:v9+s20+$0x0], $0xffff;
	v21 =	vadd.f32 v63, v21  }
0x226: {  	v33 =	vld.idx.msk [tilespmem:v9+s21+$0x0], $0xffff;
	v20 =	vadd.f32 v28, v20  }
0x227: {  	v34 =	vld.idx.msk [tilespmem:v10+s20+$0x0], $0xffff;
	v21 =	vadd.f32 v29, v21  }
0x228: {  	v35 =	vld.idx.msk [tilespmem:v10+s21+$0x0], $0xffff;
	v20 =	vadd.f32 v30, v20  }
0x229: {  	v36 =	vld.idx.msk [tilespmem:v11+s20+$0x0], $0xffff;
	v21 =	vadd.f32 v31, v21  }
0x22a: {  	v37 =	vld.idx.msk [tilespmem:v11+s21+$0x0], $0xffff;
	v20 =	vadd.f32 v32, v20  }
0x22b: {  	v38 =	vld.idx.msk [tilespmem:v12+s20+$0x0], $0xffff;
	v21 =	vadd.f32 v33, v21  }
0x22c: {  	v39 =	vld.idx.msk [tilespmem:v12+s21+$0x0], $0xffff;
	v20 =	vadd.f32 v34, v20  }
0x22d: {  	v40 =	vld.idx.msk [tilespmem:v13+s20+$0x0], $0xffff;
	v21 =	vadd.f32 v35, v21  }
0x22e: {  	v41 =	vld.idx.msk [tilespmem:v13+s21+$0x0], $0xffff;
	v20 =	vadd.f32 v36, v20  }
0x22f: {  	v42 =	vld.idx.msk [tilespmem:v14+s20+$0x0], $0xffff;
	v21 =	vadd.f32 v37, v21  }
0x230: {  	v43 =	vld.idx.msk [tilespmem:v14+s21+$0x0], $0xffff;
	v20 =	vadd.f32 v38, v20  }
0x231: {  	v44 =	vld.idx.msk [tilespmem:v15+s20+$0x0], $0xffff;
	v21 =	vadd.f32 v39, v21  }
0x232: {  	v45 =	vld.idx.msk [tilespmem:v15+s21+$0x0], $0xffff;
	v20 =	vadd.f32 v40, v20  }
0x233: {  	v46 =	vld.idx.msk [tilespmem:v16+s20+$0x0], $0xffff;
	v21 =	vadd.f32 v41, v21  }
0x234: {  	v47 =	vld.idx.msk [tilespmem:v16+s21+$0x0], $0xffff;
	v20 =	vadd.f32 v42, v20  }
0x235: {  	v48 =	vld.idx.msk [tilespmem:v17+s20+$0x0], $0xffff;
	v21 =	vadd.f32 v43, v21  }
0x236: {  	v49 =	vld.idx.msk [tilespmem:v17+s21+$0x0], $0xffff;
	v20 =	vadd.f32 v44, v20  }
0x237: {  	v50 =	vld.idx.msk [tilespmem:v18+s20+$0x0], $0xffff;
	v21 =	vadd.f32 v45, v21  }
0x238: {  	v51 =	vld.idx.msk [tilespmem:v18+s21+$0x0], $0xffff;
	v20 =	vadd.f32 v46, v20  }
0x239: {  	v21 =	vadd.f32 v47, v21  }
0x23a: {  	v20 =	vadd.f32 v48, v20  }
0x23b: {  	v21 =	vadd.f32 v49, v21  }
0x23c: {  	v20 =	vadd.f32 v50, v20  }
0x23d: {  	v52 =	vor.u32 $0x101, v1;
	v21 =	vadd.f32 v51, v21  }
0x23e: {  	[tilespmem:$0xA600] =	vst v20  }
0x23f: {  	[tilespmem:$0xA680] =	vst v21;
	v20 =	vor.u32 $0x102, v1  }
0x240: {  	v21 =	vld.idx.msk [tilespmem:v19+s20+$0x0], $0xffff  }
0x241: {  	v54 =	vor.u32 $0x103, v1;
	v53 =	vld.idx.msk [tilespmem:v19+s21+$0x0], $0xffff  }
0x242: {  	v55 =	vld.idx.msk [tilespmem:v52+s20+$0x0], $0xffff  }
0x243: {  	v56 =	vor.u32 $0x104, v1;
	v22 =	vld.idx.msk [tilespmem:v52+s21+$0x0], $0xffff  }
0x244: {  	v27 =	vld.idx.msk [tilespmem:v20+s20+$0x0], $0xffff  }
0x245: {  	v28 =	vor.u32 $0x105, v1;
	v20 =	vld.idx.msk [tilespmem:v20+s21+$0x0], $0xffff;
	v21 =	vadd.f32 $0.0e+00, v21  }
0x246: {  	v29 =	vld.idx.msk [tilespmem:v54+s20+$0x0], $0xffff;
	v23 =	vadd.f32 $0.0e+00, v53  }
0x247: {  	v57 =	vor.u32 $0x106, v1;
	v24 =	vld.idx.msk [tilespmem:v54+s21+$0x0], $0xffff;
	v21 =	vadd.f32 v55, v21  }
0x248: {  	v58 =	vld.idx.msk [tilespmem:v56+s20+$0x0], $0xffff;
	v22 =	vadd.f32 v22, v23  }
0x249: {  	v59 =	vor.u32 $0x107, v1;
	v26 =	vld.idx.msk [tilespmem:v56+s21+$0x0], $0xffff;
	v21 =	vadd.f32 v27, v21  }
0x24a: {  	v60 =	vld.idx.msk [tilespmem:v28+s20+$0x0], $0xffff;
	v20 =	vadd.f32 v20, v22  }
0x24b: {  	v61 =	vor.u32 $0x108, v1;
	v28 =	vld.idx.msk [tilespmem:v28+s21+$0x0], $0xffff;
	v21 =	vadd.f32 v29, v21  }
0x24c: {  	v62 =	vld.idx.msk [tilespmem:v57+s20+$0x0], $0xffff;
	v20 =	vadd.f32 v24, v20  }
0x24d: {  	v32 =	vor.u32 $0x109, v1;
	v63 =	vld.idx.msk [tilespmem:v57+s21+$0x0], $0xffff;
	v21 =	vadd.f32 v58, v21  }
0x24e: {  	v33 =	vld.idx.msk [tilespmem:v59+s20+$0x0], $0xffff;
	v20 =	vadd.f32 v26, v20  }
0x24f: {  	v35 =	vor.u32 $0x10A, v1;
	v34 =	vld.idx.msk [tilespmem:v59+s21+$0x0], $0xffff;
	v21 =	vadd.f32 v60, v21  }
0x250: {  	v36 =	vld.idx.msk [tilespmem:v61+s20+$0x0], $0xffff;
	v20 =	vadd.f32 v28, v20  }
0x251: {  	v38 =	vor.u32 $0x10B, v1;
	v37 =	vld.idx.msk [tilespmem:v61+s21+$0x0], $0xffff;
	v21 =	vadd.f32 v62, v21  }
0x252: {  	v39 =	vld.idx.msk [tilespmem:v32+s20+$0x0], $0xffff;
	v20 =	vadd.f32 v63, v20  }
0x253: {  	v40 =	vor.u32 $0x10C, v1;
	v25 =	vld.idx.msk [tilespmem:v32+s21+$0x0], $0xffff;
	v21 =	vadd.f32 v33, v21  }
0x254: {  	v41 =	vld.idx.msk [tilespmem:v35+s20+$0x0], $0xffff;
	v20 =	vadd.f32 v34, v20  }
0x255: {  	v42 =	vor.u32 $0x10D, v1;
	v27 =	vld.idx.msk [tilespmem:v35+s21+$0x0], $0xffff;
	v21 =	vadd.f32 v36, v21  }
0x256: {  	v43 =	vld.idx.msk [tilespmem:v38+s20+$0x0], $0xffff;
	v20 =	vadd.f32 v37, v20  }
0x257: {  	v45 =	vor.u32 $0x10E, v1;
	v44 =	vld.idx.msk [tilespmem:v38+s21+$0x0], $0xffff;
	v21 =	vadd.f32 v39, v21  }
0x258: {  	v46 =	vld.idx.msk [tilespmem:v40+s20+$0x0], $0xffff;
	v20 =	vadd.f32 v25, v20  }
0x259: {  	v48 =	vor.u32 $0x10F, v1;
	v47 =	vld.idx.msk [tilespmem:v40+s21+$0x0], $0xffff;
	v21 =	vadd.f32 v41, v21  }
0x25a: {  	v49 =	vld.idx.msk [tilespmem:v42+s20+$0x0], $0xffff;
	v20 =	vadd.f32 v27, v20  }
0x25b: {  	v50 =	vld.idx.msk [tilespmem:v42+s21+$0x0], $0xffff;
	v21 =	vadd.f32 v43, v21  }
0x25c: {  	v51 =	vld.idx.msk [tilespmem:v45+s20+$0x0], $0xffff;
	v20 =	vadd.f32 v44, v20  }
0x25d: {  	v52 =	vld.idx.msk [tilespmem:v45+s21+$0x0], $0xffff;
	v21 =	vadd.f32 v46, v21  }
0x25e: {  	v53 =	vld.idx.msk [tilespmem:v48+s20+$0x0], $0xffff;
	v20 =	vadd.f32 v47, v20  }
0x25f: {  	v26 =	vld.idx.msk [tilespmem:v48+s21+$0x0], $0xffff;
	v21 =	vadd.f32 v49, v21  }
0x260: {  	v20 =	vadd.f32 v50, v20  }
0x261: {  	v21 =	vadd.f32 v51, v21  }
0x262: {  	v54 =	vor.u32 $0x200, v1;
	v20 =	vadd.f32 v52, v20  }
0x263: {  	v21 =	vadd.f32 v53, v21  }
0x264: {  	v55 =	vor.u32 $0x201, v1;
	v20 =	vadd.f32 v26, v20  }
0x265: {  	[tilespmem:$0xA610] =	vst v21  }
0x266: {  	[tilespmem:$0xA690] =	vst v20;
	v20 =	vor.u32 $0x202, v1  }
0x267: {  	v21 =	vld.idx.msk [tilespmem:v54+s20+$0x0], $0xffff  }
0x268: {  	v56 =	vor.u32 $0x203, v1;
	v23 =	vld.idx.msk [tilespmem:v54+s21+$0x0], $0xffff  }
0x269: {  	v57 =	vld.idx.msk [tilespmem:v55+s20+$0x0], $0xffff  }
0x26a: {  	v58 =	vor.u32 $0x204, v1;
	v22 =	vld.idx.msk [tilespmem:v55+s21+$0x0], $0xffff  }
0x26b: {  	v59 =	vld.idx.msk [tilespmem:v20+s20+$0x0], $0xffff  }
0x26c: {  	v60 =	vor.u32 $0x205, v1;
	v20 =	vld.idx.msk [tilespmem:v20+s21+$0x0], $0xffff;
	v21 =	vadd.f32 $0.0e+00, v21  }
0x26d: {  	v61 =	vld.idx.msk [tilespmem:v56+s20+$0x0], $0xffff;
	v23 =	vadd.f32 $0.0e+00, v23  }
0x26e: {  	v62 =	vor.u32 $0x206, v1;
	v24 =	vld.idx.msk [tilespmem:v56+s21+$0x0], $0xffff;
	v21 =	vadd.f32 v57, v21  }
0x26f: {  	v63 =	vld.idx.msk [tilespmem:v58+s20+$0x0], $0xffff;
	v22 =	vadd.f32 v22, v23  }
0x270: {  	v32 =	vor.u32 $0x207, v1;
	v26 =	vld.idx.msk [tilespmem:v58+s21+$0x0], $0xffff;
	v21 =	vadd.f32 v59, v21  }
0x271: {  	v33 =	vld.idx.msk [tilespmem:v60+s20+$0x0], $0xffff;
	v20 =	vadd.f32 v20, v22  }
0x272: {  	v34 =	vor.u32 $0x208, v1;
	v28 =	vld.idx.msk [tilespmem:v60+s21+$0x0], $0xffff;
	v21 =	vadd.f32 v61, v21  }
0x273: {  	v35 =	vld.idx.msk [tilespmem:v62+s20+$0x0], $0xffff;
	v20 =	vadd.f32 v24, v20  }
0x274: {  	v37 =	vor.u32 $0x209, v1;
	v36 =	vld.idx.msk [tilespmem:v62+s21+$0x0], $0xffff;
	v21 =	vadd.f32 v63, v21  }
0x275: {  	v38 =	vld.idx.msk [tilespmem:v32+s20+$0x0], $0xffff;
	v20 =	vadd.f32 v26, v20  }
0x276: {  	v40 =	vor.u32 $0x20A, v1;
	v39 =	vld.idx.msk [tilespmem:v32+s21+$0x0], $0xffff;
	v21 =	vadd.f32 v33, v21  }
0x277: {  	v41 =	vld.idx.msk [tilespmem:v34+s20+$0x0], $0xffff;
	v20 =	vadd.f32 v28, v20  }
0x278: {  	v43 =	vor.u32 $0x20B, v1;
	v42 =	vld.idx.msk [tilespmem:v34+s21+$0x0], $0xffff;
	v21 =	vadd.f32 v35, v21  }
0x279: {  	v44 =	vld.idx.msk [tilespmem:v37+s20+$0x0], $0xffff;
	v20 =	vadd.f32 v36, v20  }
0x27a: {  	v45 =	vor.u32 $0x20C, v1;
	v25 =	vld.idx.msk [tilespmem:v37+s21+$0x0], $0xffff;
	v21 =	vadd.f32 v38, v21  }
0x27b: {  	v46 =	vld.idx.msk [tilespmem:v40+s20+$0x0], $0xffff;
	v20 =	vadd.f32 v39, v20  }
0x27c: {  	v47 =	vor.u32 $0x20D, v1;
	v27 =	vld.idx.msk [tilespmem:v40+s21+$0x0], $0xffff;
	v21 =	vadd.f32 v41, v21  }
0x27d: {  	v48 =	vld.idx.msk [tilespmem:v43+s20+$0x0], $0xffff;
	v20 =	vadd.f32 v42, v20  }
0x27e: {  	v50 =	vor.u32 $0x20E, v1;
	v49 =	vld.idx.msk [tilespmem:v43+s21+$0x0], $0xffff;
	v21 =	vadd.f32 v44, v21  }
0x27f: {  	v51 =	vld.idx.msk [tilespmem:v45+s20+$0x0], $0xffff;
	v20 =	vadd.f32 v25, v20  }
0x280: {  	v53 =	vor.u32 $0x20F, v1;
	v52 =	vld.idx.msk [tilespmem:v45+s21+$0x0], $0xffff;
	v21 =	vadd.f32 v46, v21  }
0x281: {  	v54 =	vld.idx.msk [tilespmem:v47+s20+$0x0], $0xffff;
	v20 =	vadd.f32 v27, v20  }
0x282: {  	v55 =	vld.idx.msk [tilespmem:v47+s21+$0x0], $0xffff;
	v21 =	vadd.f32 v48, v21  }
0x283: {  	v56 =	vld.idx.msk [tilespmem:v50+s20+$0x0], $0xffff;
	v20 =	vadd.f32 v49, v20  }
0x284: {  	v57 =	vld.idx.msk [tilespmem:v50+s21+$0x0], $0xffff;
	v21 =	vadd.f32 v51, v21  }
0x285: {  	v58 =	vld.idx.msk [tilespmem:v53+s20+$0x0], $0xffff;
	v20 =	vadd.f32 v52, v20  }
0x286: {  	v26 =	vld.idx.msk [tilespmem:v53+s21+$0x0], $0xffff;
	v21 =	vadd.f32 v54, v21  }
0x287: {  	v20 =	vadd.f32 v55, v20  }
0x288: {  	v21 =	vadd.f32 v56, v21  }
0x289: {  	v59 =	vor.u32 $0x300, v1;
	v20 =	vadd.f32 v57, v20  }
0x28a: {  	v21 =	vadd.f32 v58, v21  }
0x28b: {  	v60 =	vor.u32 $0x301, v1;
	v20 =	vadd.f32 v26, v20  }
0x28c: {  	[tilespmem:$0xA620] =	vst v21  }
0x28d: {  	[tilespmem:$0xA6A0] =	vst v20;
	v20 =	vor.u32 $0x302, v1  }
0x28e: {  	v21 =	vld.idx.msk [tilespmem:v59+s20+$0x0], $0xffff  }
0x28f: {  	v61 =	vor.u32 $0x303, v1;
	v23 =	vld.idx.msk [tilespmem:v59+s21+$0x0], $0xffff  }
0x290: {  	v62 =	vld.idx.msk [tilespmem:v60+s20+$0x0], $0xffff  }
0x291: {  	v63 =	vor.u32 $0x304, v1;
	v22 =	vld.idx.msk [tilespmem:v60+s21+$0x0], $0xffff  }
0x292: {  	v32 =	vld.idx.msk [tilespmem:v20+s20+$0x0], $0xffff  }
0x293: {  	v33 =	vor.u32 $0x305, v1;
	v20 =	vld.idx.msk [tilespmem:v20+s21+$0x0], $0xffff;
	v21 =	vadd.f32 $0.0e+00, v21  }
0x294: {  	v34 =	vld.idx.msk [tilespmem:v61+s20+$0x0], $0xffff;
	v23 =	vadd.f32 $0.0e+00, v23  }
0x295: {  	v35 =	vor.u32 $0x306, v1;
	v24 =	vld.idx.msk [tilespmem:v61+s21+$0x0], $0xffff;
	v21 =	vadd.f32 v62, v21  }
0x296: {  	v36 =	vld.idx.msk [tilespmem:v63+s20+$0x0], $0xffff;
	v22 =	vadd.f32 v22, v23  }
0x297: {  	v37 =	vor.u32 $0x307, v1;
	v26 =	vld.idx.msk [tilespmem:v63+s21+$0x0], $0xffff;
	v21 =	vadd.f32 v32, v21  }
0x298: {  	v38 =	vld.idx.msk [tilespmem:v33+s20+$0x0], $0xffff;
	v20 =	vadd.f32 v20, v22  }
0x299: {  	v39 =	vor.u32 $0x308, v1;
	v28 =	vld.idx.msk [tilespmem:v33+s21+$0x0], $0xffff;
	v21 =	vadd.f32 v34, v21  }
0x29a: {  	v40 =	vld.idx.msk [tilespmem:v35+s20+$0x0], $0xffff;
	v20 =	vadd.f32 v24, v20  }
0x29b: {  	v42 =	vor.u32 $0x309, v1;
	v41 =	vld.idx.msk [tilespmem:v35+s21+$0x0], $0xffff;
	v21 =	vadd.f32 v36, v21  }
0x29c: {  	v43 =	vld.idx.msk [tilespmem:v37+s20+$0x0], $0xffff;
	v20 =	vadd.f32 v26, v20  }
0x29d: {  	v45 =	vor.u32 $0x30A, v1;
	v44 =	vld.idx.msk [tilespmem:v37+s21+$0x0], $0xffff;
	v21 =	vadd.f32 v38, v21  }
0x29e: {  	v46 =	vld.idx.msk [tilespmem:v39+s20+$0x0], $0xffff;
	v20 =	vadd.f32 v28, v20  }
0x29f: {  	v48 =	vor.u32 $0x30B, v1;
	v47 =	vld.idx.msk [tilespmem:v39+s21+$0x0], $0xffff;
	v21 =	vadd.f32 v40, v21  }
0x2a0: {  	v49 =	vld.idx.msk [tilespmem:v42+s20+$0x0], $0xffff;
	v20 =	vadd.f32 v41, v20  }
0x2a1: {  	v50 =	vor.u32 $0x30C, v1;
	v25 =	vld.idx.msk [tilespmem:v42+s21+$0x0], $0xffff;
	v21 =	vadd.f32 v43, v21  }
0x2a2: {  	v51 =	vld.idx.msk [tilespmem:v45+s20+$0x0], $0xffff;
	v20 =	vadd.f32 v44, v20  }
0x2a3: {  	v52 =	vor.u32 $0x30D, v1;
	v27 =	vld.idx.msk [tilespmem:v45+s21+$0x0], $0xffff;
	v21 =	vadd.f32 v46, v21  }
0x2a4: {  	v53 =	vld.idx.msk [tilespmem:v48+s20+$0x0], $0xffff;
	v20 =	vadd.f32 v47, v20  }
0x2a5: {  	v55 =	vor.u32 $0x30E, v1;
	v54 =	vld.idx.msk [tilespmem:v48+s21+$0x0], $0xffff;
	v21 =	vadd.f32 v49, v21  }
0x2a6: {  	v56 =	vld.idx.msk [tilespmem:v50+s20+$0x0], $0xffff;
	v20 =	vadd.f32 v25, v20  }
0x2a7: {  	v58 =	vor.u32 $0x30F, v1;
	v57 =	vld.idx.msk [tilespmem:v50+s21+$0x0], $0xffff;
	v21 =	vadd.f32 v51, v21  }
0x2a8: {  	v59 =	vld.idx.msk [tilespmem:v52+s20+$0x0], $0xffff;
	v20 =	vadd.f32 v27, v20  }
0x2a9: {  	v60 =	vld.idx.msk [tilespmem:v52+s21+$0x0], $0xffff;
	v21 =	vadd.f32 v53, v21  }
0x2aa: {  	v61 =	vld.idx.msk [tilespmem:v55+s20+$0x0], $0xffff;
	v20 =	vadd.f32 v54, v20  }
0x2ab: {  	v62 =	vld.idx.msk [tilespmem:v55+s21+$0x0], $0xffff;
	v21 =	vadd.f32 v56, v21  }
0x2ac: {  	v63 =	vld.idx.msk [tilespmem:v58+s20+$0x0], $0xffff;
	v20 =	vadd.f32 v57, v20  }
0x2ad: {  	v26 =	vld.idx.msk [tilespmem:v58+s21+$0x0], $0xffff;
	v21 =	vadd.f32 v59, v21  }
0x2ae: {  	v20 =	vadd.f32 v60, v20  }
0x2af: {  	v21 =	vadd.f32 v61, v21  }
0x2b0: {  	v20 =	vadd.f32 v62, v20  }
0x2b1: {  	v21 =	vadd.f32 v63, v21  }
0x2b2: {  	v20 =	vadd.f32 v26, v20  }
0x2b3: {  	[tilespmem:$0xA630] =	vst v21  }
0x2b4: {  	[tilespmem:$0xA6B0] =	vst v20  }
0x2b5: {  	[hbm4b:s13+s2] =	stream.linear.scatter [tilespmem:s23], [sflag:$0x3], $0x80, $0x38;
	[tilespmem:$0xA700] =	vst v63  }
0x2b6: {  	s26 =	sadd.s32 $0x1, s26;
	_ =	swait.ge [sflag:s24], $0x80  }
0x2b7: {  	p0 =	sne.s32 s26, s15;
	[sflag:s24] =	ssyncset.done $0x0  }
.Ltmp5:
0x2b8: {  	[sflag:s24] =	ssyncadd.s32 $0xFFFFFF80;
	(pc) =	sbr.rel @p0 .LBB2_1-.Ltmp5, $4  }
0x2b9: {  	[hbm4b:s14+s2] =	stream.linear.scatter [tilespmem:s25], [sflag:$0x3], $0x80, $0x38;
	[tilespmem:$0xA700] =	vst v63  }
0x2ba: {  	_ =	swait.ge [sflag:s24], $0x80  }
0x2bb: {  	[sflag:s24] =	ssyncset.done $0x0  }
0x2bc: {  	[sflag:s24] =	ssyncadd.s32 $0xFFFFFF80  }
0x2bd: {  	_ =	sfence.sel $0x180000  }
0x2be: {  	[bflag:$0x0] =	sbarrier.arrive $0xFFFF  }
0x2bf: {  	p0 =	sne.s32 s0, $0x0;
	_ =	strace $0x90000047  }
0x2c0: {  	s0 =	sadd.s32 @!p0 $0x100000, s1;
	[bflag:$0x2] =	sbarrier.arrive $0xFFFF  }
0x2c1: {  	[sflag:s0] =	ssyncadd.tile.s32 @!p0 $0x1;
	_ =	shalt  }
.Lfunc_end2:
_tile_overlayer_lowered:
.L_overlay_start_2:
0x2c2: {  	(tag) =	ssettag $0x2  }
0x2c3: {  	s0 =	rddreg [dreg:$0x0];
	s2 =	stileid.u32  }
0x2c4: {  	s1 =	rddreg [dreg:$0x1];
	p0 =	sne.s32 s2, $0x0  }
0x2c5: {  	s3 =	rddreg [dreg:$0x2];
	[bflag:$0x3] =	sbarrier.arrive $0xFFFF;
	s2 =	simm.s32 @!p0 $0x1C03  }
0x2c6: {  	[timem:s3], [sflag:s2] =	dma.local @!p0 [hbm:s0], s1  }
0x2c7: {  	s0 =	simm.s32 @!p0 $0x3  }
0x2c8: {  	_ =	swait.ge @!p0 [sflag:s0], s1  }
0x2c9: {  	s1 =	ssub.s32 @!p0 $0x0, s1;
	[sflag:s0] =	ssyncset.done @!p0 $0x0  }
0x2ca: {  	[sflag:s0] =	ssyncadd.s32 @!p0 s1  }
0x2cb: {  	[bflag:$0x3] =	sbarrier.arrive $0xFFFF  }
0x2cc: {  	_ =	shalt  }

</sc_bundles>
